<compile_context>
chip_gen: v7x
topology: tpu7x:2x2x1
jax: 0.10.2.dev20260603
libtpu: 0.0.44.dev20260713+nightly
codegen_flags: <defaults>
</compile_context>

<pallas_src>
import jax
import jax.numpy as jnp
from jax import lax
from jax.experimental import pallas as pl
from jax.experimental.pallas import tpu as pltpu
from jax.experimental.pallas import tpu_sc as plsc

N_CORES = 2
N_SUBCORES = 16
N_WORKERS = N_CORES * N_SUBCORES
LANES = 16

BATCH = 16384
B_PER_W = BATCH // N_WORKERS
GATHER_CHUNK = 128
N_CHUNKS = B_PER_W // GATHER_CHUNK


def _sc_body(table_hbm, idx_hbm, out_hbm, idx_v, vals_v, sem):
    wid = lax.axis_index("s") * N_CORES + lax.axis_index("c")
    base = wid * B_PER_W

    pltpu.sync_copy(idx_hbm.at[pl.ds(base, B_PER_W)], idx_v)

    copies = []
    for j in range(N_CHUNKS):
        sl = pl.ds(j * GATHER_CHUNK, GATHER_CHUNK)
        copies.append(
            pltpu.async_copy(table_hbm.at[idx_v.at[sl]], vals_v.at[sl], sem)
        )
    for c in copies:
        c.wait()

    for i in range(B_PER_W // LANES):
        sl = pl.ds(i * LANES, LANES)
        x = vals_v[sl]
        vals_v[sl] = 1.0 / (1.0 + jnp.exp(-x))

    pltpu.sync_copy(vals_v, out_hbm.at[pl.ds(base, B_PER_W)])


@jax.jit
def _sc_gather_sigmoid(table, ids):
    mesh = plsc.VectorSubcoreMesh(core_axis_name="c", subcore_axis_name="s")
    fn = pl.kernel(
        _sc_body,
        out_type=jax.ShapeDtypeStruct((BATCH,), jnp.float32),
        mesh=mesh,
        scratch_types=[
            pltpu.VMEM((B_PER_W,), jnp.int32),
            pltpu.VMEM((B_PER_W,), jnp.float32),
            pltpu.SemaphoreType.DMA,
        ],
    )
    return fn(table, ids)


def kernel(user_ids, item_ids, user_emb_weight):
    table = user_emb_weight.reshape(-1)
    ids = user_ids.astype(jnp.int32)
    return _sc_gather_sigmoid(table, ids)

# --- scband reference (transcript-rebuilt; emitter-appended) ---
"""Pipeline reference for scband-user-param-33517924778053 (READ-ONLY COPY).

The authoritative reference and input builder live on the scoring server;
editing this copy changes nothing except your own understanding.
"""

import jax, jax.numpy as jnp
import numpy as np

N_USERS = 1000000
BATCH = 16384

def setup_inputs(seed: int = 0) -> dict:
    key = jax.random.key(seed)
    k1, k2 = jax.random.split(key)
    user_ids = jax.random.randint(k1, (BATCH,), 0, N_USERS, dtype=jnp.int64 if jax.config.jax_enable_x64 else jnp.int32)
    item_ids = jax.random.randint(k2, (BATCH,), 0, N_USERS, dtype=jnp.int64 if jax.config.jax_enable_x64 else jnp.int32)
    # nn.Embedding(n_users, 1) with weights zero-initialized per module's __init__
    user_emb_weight = jnp.zeros((N_USERS, 1), dtype=jnp.float32)
    return {"user_ids": user_ids, "item_ids": item_ids, "user_emb_weight": user_emb_weight}

def reference(user_ids, item_ids, user_emb_weight):
    # torch.sigmoid(self.user_emb(user_ids).squeeze())
    emb = jnp.take(user_emb_weight, user_ids, axis=0)  # [B, 1]
    out = jax.nn.sigmoid(jnp.squeeze(emb, axis=-1))    # [B]
    return out

if __name__ == "__main__":
    import jax
    _d = setup_inputs()
    print(jax.jit(kernel)(*tuple(_d.values())))

</pallas_src>

<mosaic_0001>
#map = affine_map<(d0, d1) -> (0)>
module attributes {stable_mosaic.version = 14 : i64} {
  func.func @_sc_body(%arg0: i32, %arg1: i32, %arg2: memref<1000000xf32, #tpu.memory_space<hbm>>, %arg3: memref<16384xi32, #tpu.memory_space<hbm>>, %arg4: memref<16384xf32, #tpu.memory_space<hbm>>, %arg5: memref<512xi32, #tpu.memory_space<vmem>>, %arg6: memref<512xf32, #tpu.memory_space<vmem>>, %arg7: memref<!tpu.dma_semaphore, #tpu.memory_space<semaphore_mem>>) attributes {dimension_semantics = [#tpu.dimension_semantics<core_parallel>, #tpu.dimension_semantics<subcore_parallel>], iteration_bounds = array<i64: 2, 16>, scalar_prefetch = 0 : i64, scratch_operands = 3 : i64, tpu.core_type = #tpu.core_type<sc_vector_subcore>, window_params = [{transform_indices = #map}, {transform_indices = #map}, {transform_indices = #map}]} {
    %mul3A = arith.constant 2 : i32
    %mul3A_0 = arith.muli %arg1, %mul3A : i32
    %add3A = arith.addi %mul3A_0, %arg0 : i32
    %mul3A_1 = arith.constant 512 : i32
    %mul3A_2 = arith.muli %add3A, %mul3A_1 : i32
    "tpu.region"() ({
      %run_scoped3A = tpu.sem_alloc : memref<!tpu.dma_semaphore, #tpu.memory_space<semaphore_mem>>
      %dma_start3A_588 = tpu.memref_slice %arg3[%mul3A_2] : memref<16384xi32, #tpu.memory_space<hbm>> -> memref<512xi32, #tpu.memory_space<hbm>>
      %dma_start3A_589 = tpu.memref_slice %arg3[%mul3A_2] : memref<16384xi32, #tpu.memory_space<hbm>> -> memref<512xi32, #tpu.memory_space<hbm>>
      tpu.enqueue_dma source(%dma_start3A_589 : memref<512xi32, #tpu.memory_space<hbm>>) target(%arg5 : memref<512xi32, #tpu.memory_space<vmem>>) target_semaphore(%run_scoped3A : memref<!tpu.dma_semaphore, #tpu.memory_space<semaphore_mem>>)
      %dma_wait3A_590 = tpu.memref_slice %arg3[%mul3A_2] : memref<16384xi32, #tpu.memory_space<hbm>> -> memref<512xi32, #tpu.memory_space<hbm>>
      %dma_wait3A_591 = tpu.memref_slice %arg3[%mul3A_2] : memref<16384xi32, #tpu.memory_space<hbm>> -> memref<512xi32, #tpu.memory_space<hbm>>
      tpu.wait_dma2 semaphore(%run_scoped3A : memref<!tpu.dma_semaphore, #tpu.memory_space<semaphore_mem>>) src(%dma_wait3A_591 : memref<512xi32, #tpu.memory_space<hbm>>) dst(%arg5 : memref<512xi32, #tpu.memory_space<vmem>>)
      tpu.yield
    }) : () -> ()
    %dma_start3A = arith.constant 0 : i32
    %dma_start3A_3 = tpu.memref_slice %arg6[%dma_start3A] : memref<512xf32, #tpu.memory_space<vmem>> -> memref<128xf32, #tpu.memory_space<vmem>>
    %dma_start3A_4 = arith.constant 0 : i32
    %dma_start3A_5 = tpu.memref_slice %arg5[%dma_start3A_4] : memref<512xi32, #tpu.memory_space<vmem>> -> memref<128xi32, #tpu.memory_space<vmem>>
    %dma_start3A_6 = arith.constant 0 : i32
    %dma_start3A_7 = tpu.memref_slice %arg2[%dma_start3A_6] : memref<1000000xf32, #tpu.memory_space<hbm>> -> memref<1000000xf32, #tpu.memory_space<hbm>>
    tpu.enqueue_indirect_dma source(%dma_start3A_7 : memref<1000000xf32, #tpu.memory_space<hbm>>) target(%dma_start3A_3 : memref<128xf32, #tpu.memory_space<vmem>>) offsets(%dma_start3A_5 : memref<128xi32, #tpu.memory_space<vmem>>) semaphore(%arg7 : memref<!tpu.dma_semaphore, #tpu.memory_space<semaphore_mem>>)
    %dma_start3A_8 = arith.constant 128 : i32
    %dma_start3A_9 = tpu.memref_slice %arg6[%dma_start3A_8] : memref<512xf32, #tpu.memory_space<vmem>> -> memref<128xf32, #tpu.memory_space<vmem>>
    %dma_start3A_10 = arith.constant 128 : i32
    %dma_start3A_11 = tpu.memref_slice %arg5[%dma_start3A_10] : memref<512xi32, #tpu.memory_space<vmem>> -> memref<128xi32, #tpu.memory_space<vmem>>
    %dma_start3A_12 = arith.constant 0 : i32
    %dma_start3A_13 = tpu.memref_slice %arg2[%dma_start3A_12] : memref<1000000xf32, #tpu.memory_space<hbm>> -> memref<1000000xf32, #tpu.memory_space<hbm>>
    tpu.enqueue_indirect_dma source(%dma_start3A_13 : memref<1000000xf32, #tpu.memory_space<hbm>>) target(%dma_start3A_9 : memref<128xf32, #tpu.memory_space<vmem>>) offsets(%dma_start3A_11 : memref<128xi32, #tpu.memory_space<vmem>>) semaphore(%arg7 : memref<!tpu.dma_semaphore, #tpu.memory_space<semaphore_mem>>)
    %dma_start3A_14 = arith.constant 256 : i32
    %dma_start3A_15 = tpu.memref_slice %arg6[%dma_start3A_14] : memref<512xf32, #tpu.memory_space<vmem>> -> memref<128xf32, #tpu.memory_space<vmem>>
    %dma_start3A_16 = arith.constant 256 : i32
    %dma_start3A_17 = tpu.memref_slice %arg5[%dma_start3A_16] : memref<512xi32, #tpu.memory_space<vmem>> -> memref<128xi32, #tpu.memory_space<vmem>>
    %dma_start3A_18 = arith.constant 0 : i32
    %dma_start3A_19 = tpu.memref_slice %arg2[%dma_start3A_18] : memref<1000000xf32, #tpu.memory_space<hbm>> -> memref<1000000xf32, #tpu.memory_space<hbm>>
    tpu.enqueue_indirect_dma source(%dma_start3A_19 : memref<1000000xf32, #tpu.memory_space<hbm>>) target(%dma_start3A_15 : memref<128xf32, #tpu.memory_space<vmem>>) offsets(%dma_start3A_17 : memref<128xi32, #tpu.memory_space<vmem>>) semaphore(%arg7 : memref<!tpu.dma_semaphore, #tpu.memory_space<semaphore_mem>>)
    %dma_start3A_20 = arith.constant 384 : i32
    %dma_start3A_21 = tpu.memref_slice %arg6[%dma_start3A_20] : memref<512xf32, #tpu.memory_space<vmem>> -> memref<128xf32, #tpu.memory_space<vmem>>
    %dma_start3A_22 = arith.constant 384 : i32
    %dma_start3A_23 = tpu.memref_slice %arg5[%dma_start3A_22] : memref<512xi32, #tpu.memory_space<vmem>> -> memref<128xi32, #tpu.memory_space<vmem>>
    %dma_start3A_24 = arith.constant 0 : i32
    %dma_start3A_25 = tpu.memref_slice %arg2[%dma_start3A_24] : memref<1000000xf32, #tpu.memory_space<hbm>> -> memref<1000000xf32, #tpu.memory_space<hbm>>
    tpu.enqueue_indirect_dma source(%dma_start3A_25 : memref<1000000xf32, #tpu.memory_space<hbm>>) target(%dma_start3A_21 : memref<128xf32, #tpu.memory_space<vmem>>) offsets(%dma_start3A_23 : memref<128xi32, #tpu.memory_space<vmem>>) semaphore(%arg7 : memref<!tpu.dma_semaphore, #tpu.memory_space<semaphore_mem>>)
    %dma_wait3A = arith.constant 0 : i32
    %dma_wait3A_26 = tpu.memref_slice %arg6[%dma_wait3A] : memref<512xf32, #tpu.memory_space<vmem>> -> memref<128xf32, #tpu.memory_space<vmem>>
    %dma_wait3A_27 = arith.constant 0 : i32
    %dma_wait3A_28 = tpu.memref_slice %arg5[%dma_wait3A_27] : memref<512xi32, #tpu.memory_space<vmem>> -> memref<128xi32, #tpu.memory_space<vmem>>
    %dma_wait3A_29 = arith.constant 0 : i32
    %dma_wait3A_30 = tpu.memref_slice %arg2[%dma_wait3A_29] : memref<1000000xf32, #tpu.memory_space<hbm>> -> memref<1000000xf32, #tpu.memory_space<hbm>>
    tpu.wait_indirect_dma semaphore(%arg7 : memref<!tpu.dma_semaphore, #tpu.memory_space<semaphore_mem>>) src(%dma_wait3A_30 : memref<1000000xf32, #tpu.memory_space<hbm>>) dst(%dma_wait3A_26 : memref<128xf32, #tpu.memory_space<vmem>>)
    %dma_wait3A_31 = arith.constant 128 : i32
    %dma_wait3A_32 = tpu.memref_slice %arg6[%dma_wait3A_31] : memref<512xf32, #tpu.memory_space<vmem>> -> memref<128xf32, #tpu.memory_space<vmem>>
    %dma_wait3A_33 = arith.constant 128 : i32
    %dma_wait3A_34 = tpu.memref_slice %arg5[%dma_wait3A_33] : memref<512xi32, #tpu.memory_space<vmem>> -> memref<128xi32, #tpu.memory_space<vmem>>
    %dma_wait3A_35 = arith.constant 0 : i32
    %dma_wait3A_36 = tpu.memref_slice %arg2[%dma_wait3A_35] : memref<1000000xf32, #tpu.memory_space<hbm>> -> memref<1000000xf32, #tpu.memory_space<hbm>>
    tpu.wait_indirect_dma semaphore(%arg7 : memref<!tpu.dma_semaphore, #tpu.memory_space<semaphore_mem>>) src(%dma_wait3A_36 : memref<1000000xf32, #tpu.memory_space<hbm>>) dst(%dma_wait3A_32 : memref<128xf32, #tpu.memory_space<vmem>>)
    %dma_wait3A_37 = arith.constant 256 : i32
    %dma_wait3A_38 = tpu.memref_slice %arg6[%dma_wait3A_37] : memref<512xf32, #tpu.memory_space<vmem>> -> memref<128xf32, #tpu.memory_space<vmem>>
    %dma_wait3A_39 = arith.constant 256 : i32
    %dma_wait3A_40 = tpu.memref_slice %arg5[%dma_wait3A_39] : memref<512xi32, #tpu.memory_space<vmem>> -> memref<128xi32, #tpu.memory_space<vmem>>
    %dma_wait3A_41 = arith.constant 0 : i32
    %dma_wait3A_42 = tpu.memref_slice %arg2[%dma_wait3A_41] : memref<1000000xf32, #tpu.memory_space<hbm>> -> memref<1000000xf32, #tpu.memory_space<hbm>>
    tpu.wait_indirect_dma semaphore(%arg7 : memref<!tpu.dma_semaphore, #tpu.memory_space<semaphore_mem>>) src(%dma_wait3A_42 : memref<1000000xf32, #tpu.memory_space<hbm>>) dst(%dma_wait3A_38 : memref<128xf32, #tpu.memory_space<vmem>>)
    %dma_wait3A_43 = arith.constant 384 : i32
    %dma_wait3A_44 = tpu.memref_slice %arg6[%dma_wait3A_43] : memref<512xf32, #tpu.memory_space<vmem>> -> memref<128xf32, #tpu.memory_space<vmem>>
    %dma_wait3A_45 = arith.constant 384 : i32
    %dma_wait3A_46 = tpu.memref_slice %arg5[%dma_wait3A_45] : memref<512xi32, #tpu.memory_space<vmem>> -> memref<128xi32, #tpu.memory_space<vmem>>
    %dma_wait3A_47 = arith.constant 0 : i32
    %dma_wait3A_48 = tpu.memref_slice %arg2[%dma_wait3A_47] : memref<1000000xf32, #tpu.memory_space<hbm>> -> memref<1000000xf32, #tpu.memory_space<hbm>>
    tpu.wait_indirect_dma semaphore(%arg7 : memref<!tpu.dma_semaphore, #tpu.memory_space<semaphore_mem>>) src(%dma_wait3A_48 : memref<1000000xf32, #tpu.memory_space<hbm>>) dst(%dma_wait3A_44 : memref<128xf32, #tpu.memory_space<vmem>>)
    %get3A = arith.constant 0 : index
    %get3A_49 = tpu.vector_load %arg6[%get3A] {strides = array<i32>} : memref<512xf32, #tpu.memory_space<vmem>>, vector<16xf32>,
    %get3A_50 = vector.shape_cast %get3A_49 : vector<16xf32> to vector<16xf32>
    %neg3A = arith.constant 0.000000e+00 : f32
    %neg3A_51 = vector.broadcast %neg3A : f32 to vector<16xf32>
    %neg3A_52 = arith.subf %neg3A_51, %get3A_50 : vector<16xf32>
    %exp3A = math.exp %neg3A_52 : vector<16xf32>
    %add3A_53 = arith.constant 1.000000e+00 : f32
    %add3A_54 = vector.broadcast %add3A_53 : f32 to vector<16xf32>
    %add3A_55 = arith.addf %add3A_54, %exp3A : vector<16xf32>
    %div3A = arith.constant 1.000000e+00 : f32
    %div3A_56 = vector.broadcast %div3A : f32 to vector<16xf32>
    %div3A_57 = arith.divf %div3A_56, %add3A_55 : vector<16xf32>
    %swap3A = arith.constant 0 : index
    %swap3A_58 = tpu.vector_load %arg6[%swap3A] {strides = array<i32>} : memref<512xf32, #tpu.memory_space<vmem>>, vector<16xf32>,
    %swap3A_59 = vector.shape_cast %swap3A_58 : vector<16xf32> to vector<16xf32>
    %swap3A_60 = vector.shape_cast %div3A_57 : vector<16xf32> to vector<16xf32>
    tpu.vector_store %arg6[%swap3A], %swap3A_60 {strides = array<i32>} : memref<512xf32, #tpu.memory_space<vmem>>, vector<16xf32>,
    %get3A_61 = arith.constant 16 : index
    %get3A_62 = tpu.vector_load %arg6[%get3A_61] {strides = array<i32>} : memref<512xf32, #tpu.memory_space<vmem>>, vector<16xf32>,
    %get3A_63 = vector.shape_cast %get3A_62 : vector<16xf32> to vector<16xf32>
    %neg3A_64 = arith.constant 0.000000e+00 : f32
    %neg3A_65 = vector.broadcast %neg3A_64 : f32 to vector<16xf32>
    %neg3A_66 = arith.subf %neg3A_65, %get3A_63 : vector<16xf32>
    %exp3A_67 = math.exp %neg3A_66 : vector<16xf32>
    %add3A_68 = arith.constant 1.000000e+00 : f32
    %add3A_69 = vector.broadcast %add3A_68 : f32 to vector<16xf32>
    %add3A_70 = arith.addf %add3A_69, %exp3A_67 : vector<16xf32>
    %div3A_71 = arith.constant 1.000000e+00 : f32
    %div3A_72 = vector.broadcast %div3A_71 : f32 to vector<16xf32>
    %div3A_73 = arith.divf %div3A_72, %add3A_70 : vector<16xf32>
    %swap3A_74 = arith.constant 16 : index
    %swap3A_75 = tpu.vector_load %arg6[%swap3A_74] {strides = array<i32>} : memref<512xf32, #tpu.memory_space<vmem>>, vector<16xf32>,
    %swap3A_76 = vector.shape_cast %swap3A_75 : vector<16xf32> to vector<16xf32>
    %swap3A_77 = vector.shape_cast %div3A_73 : vector<16xf32> to vector<16xf32>
    tpu.vector_store %arg6[%swap3A_74], %swap3A_77 {strides = array<i32>} : memref<512xf32, #tpu.memory_space<vmem>>, vector<16xf32>,
    %get3A_78 = arith.constant 32 : index
    %get3A_79 = tpu.vector_load %arg6[%get3A_78] {strides = array<i32>} : memref<512xf32, #tpu.memory_space<vmem>>, vector<16xf32>,
    %get3A_80 = vector.shape_cast %get3A_79 : vector<16xf32> to vector<16xf32>
    %neg3A_81 = arith.constant 0.000000e+00 : f32
    %neg3A_82 = vector.broadcast %neg3A_81 : f32 to vector<16xf32>
    %neg3A_83 = arith.subf %neg3A_82, %get3A_80 : vector<16xf32>
    %exp3A_84 = math.exp %neg3A_83 : vector<16xf32>
    %add3A_85 = arith.constant 1.000000e+00 : f32
    %add3A_86 = vector.broadcast %add3A_85 : f32 to vector<16xf32>
    %add3A_87 = arith.addf %add3A_86, %exp3A_84 : vector<16xf32>
    %div3A_88 = arith.constant 1.000000e+00 : f32
    %div3A_89 = vector.broadcast %div3A_88 : f32 to vector<16xf32>
    %div3A_90 = arith.divf %div3A_89, %add3A_87 : vector<16xf32>
    %swap3A_91 = arith.constant 32 : index
    %swap3A_92 = tpu.vector_load %arg6[%swap3A_91] {strides = array<i32>} : memref<512xf32, #tpu.memory_space<vmem>>, vector<16xf32>,
    %swap3A_93 = vector.shape_cast %swap3A_92 : vector<16xf32> to vector<16xf32>
    %swap3A_94 = vector.shape_cast %div3A_90 : vector<16xf32> to vector<16xf32>
    tpu.vector_store %arg6[%swap3A_91], %swap3A_94 {strides = array<i32>} : memref<512xf32, #tpu.memory_space<vmem>>, vector<16xf32>,
    %get3A_95 = arith.constant 48 : index
    %get3A_96 = tpu.vector_load %arg6[%get3A_95] {strides = array<i32>} : memref<512xf32, #tpu.memory_space<vmem>>, vector<16xf32>,
    %get3A_97 = vector.shape_cast %get3A_96 : vector<16xf32> to vector<16xf32>
    %neg3A_98 = arith.constant 0.000000e+00 : f32
    %neg3A_99 = vector.broadcast %neg3A_98 : f32 to vector<16xf32>
    %neg3A_100 = arith.subf %neg3A_99, %get3A_97 : vector<16xf32>
    %exp3A_101 = math.exp %neg3A_100 : vector<16xf32>
    %add3A_102 = arith.constant 1.000000e+00 : f32
    %add3A_103 = vector.broadcast %add3A_102 : f32 to vector<16xf32>
    %add3A_104 = arith.addf %add3A_103, %exp3A_101 : vector<16xf32>
    %div3A_105 = arith.constant 1.000000e+00 : f32
    %div3A_106 = vector.broadcast %div3A_105 : f32 to vector<16xf32>
    %div3A_107 = arith.divf %div3A_106, %add3A_104 : vector<16xf32>
    %swap3A_108 = arith.constant 48 : index
    %swap3A_109 = tpu.vector_load %arg6[%swap3A_108] {strides = array<i32>} : memref<512xf32, #tpu.memory_space<vmem>>, vector<16xf32>,
    %swap3A_110 = vector.shape_cast %swap3A_109 : vector<16xf32> to vector<16xf32>
    %swap3A_111 = vector.shape_cast %div3A_107 : vector<16xf32> to vector<16xf32>
    tpu.vector_store %arg6[%swap3A_108], %swap3A_111 {strides = array<i32>} : memref<512xf32, #tpu.memory_space<vmem>>, vector<16xf32>,
    %get3A_112 = arith.constant 64 : index
    %get3A_113 = tpu.vector_load %arg6[%get3A_112] {strides = array<i32>} : memref<512xf32, #tpu.memory_space<vmem>>, vector<16xf32>,
    %get3A_114 = vector.shape_cast %get3A_113 : vector<16xf32> to vector<16xf32>
    %neg3A_115 = arith.constant 0.000000e+00 : f32
    %neg3A_116 = vector.broadcast %neg3A_115 : f32 to vector<16xf32>
    %neg3A_117 = arith.subf %neg3A_116, %get3A_114 : vector<16xf32>
    %exp3A_118 = math.exp %neg3A_117 : vector<16xf32>
    %add3A_119 = arith.constant 1.000000e+00 : f32
    %add3A_120 = vector.broadcast %add3A_119 : f32 to vector<16xf32>
    %add3A_121 = arith.addf %add3A_120, %exp3A_118 : vector<16xf32>
    %div3A_122 = arith.constant 1.000000e+00 : f32
    %div3A_123 = vector.broadcast %div3A_122 : f32 to vector<16xf32>
    %div3A_124 = arith.divf %div3A_123, %add3A_121 : vector<16xf32>
    %swap3A_125 = arith.constant 64 : index
    %swap3A_126 = tpu.vector_load %arg6[%swap3A_125] {strides = array<i32>} : memref<512xf32, #tpu.memory_space<vmem>>, vector<16xf32>,
    %swap3A_127 = vector.shape_cast %swap3A_126 : vector<16xf32> to vector<16xf32>
    %swap3A_128 = vector.shape_cast %div3A_124 : vector<16xf32> to vector<16xf32>
    tpu.vector_store %arg6[%swap3A_125], %swap3A_128 {strides = array<i32>} : memref<512xf32, #tpu.memory_space<vmem>>, vector<16xf32>,
    %get3A_129 = arith.constant 80 : index
    %get3A_130 = tpu.vector_load %arg6[%get3A_129] {strides = array<i32>} : memref<512xf32, #tpu.memory_space<vmem>>, vector<16xf32>,
    %get3A_131 = vector.shape_cast %get3A_130 : vector<16xf32> to vector<16xf32>
    %neg3A_132 = arith.constant 0.000000e+00 : f32
    %neg3A_133 = vector.broadcast %neg3A_132 : f32 to vector<16xf32>
    %neg3A_134 = arith.subf %neg3A_133, %get3A_131 : vector<16xf32>
    %exp3A_135 = math.exp %neg3A_134 : vector<16xf32>
    %add3A_136 = arith.constant 1.000000e+00 : f32
    %add3A_137 = vector.broadcast %add3A_136 : f32 to vector<16xf32>
    %add3A_138 = arith.addf %add3A_137, %exp3A_135 : vector<16xf32>
    %div3A_139 = arith.constant 1.000000e+00 : f32
    %div3A_140 = vector.broadcast %div3A_139 : f32 to vector<16xf32>
    %div3A_141 = arith.divf %div3A_140, %add3A_138 : vector<16xf32>
    %swap3A_142 = arith.constant 80 : index
    %swap3A_143 = tpu.vector_load %arg6[%swap3A_142] {strides = array<i32>} : memref<512xf32, #tpu.memory_space<vmem>>, vector<16xf32>,
    %swap3A_144 = vector.shape_cast %swap3A_143 : vector<16xf32> to vector<16xf32>
    %swap3A_145 = vector.shape_cast %div3A_141 : vector<16xf32> to vector<16xf32>
    tpu.vector_store %arg6[%swap3A_142], %swap3A_145 {strides = array<i32>} : memref<512xf32, #tpu.memory_space<vmem>>, vector<16xf32>,
    %get3A_146 = arith.constant 96 : index
    %get3A_147 = tpu.vector_load %arg6[%get3A_146] {strides = array<i32>} : memref<512xf32, #tpu.memory_space<vmem>>, vector<16xf32>,
    %get3A_148 = vector.shape_cast %get3A_147 : vector<16xf32> to vector<16xf32>
    %neg3A_149 = arith.constant 0.000000e+00 : f32
    %neg3A_150 = vector.broadcast %neg3A_149 : f32 to vector<16xf32>
    %neg3A_151 = arith.subf %neg3A_150, %get3A_148 : vector<16xf32>
    %exp3A_152 = math.exp %neg3A_151 : vector<16xf32>
    %add3A_153 = arith.constant 1.000000e+00 : f32
    %add3A_154 = vector.broadcast %add3A_153 : f32 to vector<16xf32>
    %add3A_155 = arith.addf %add3A_154, %exp3A_152 : vector<16xf32>
    %div3A_156 = arith.constant 1.000000e+00 : f32
    %div3A_157 = vector.broadcast %div3A_156 : f32 to vector<16xf32>
    %div3A_158 = arith.divf %div3A_157, %add3A_155 : vector<16xf32>
    %swap3A_159 = arith.constant 96 : index
    %swap3A_160 = tpu.vector_load %arg6[%swap3A_159] {strides = array<i32>} : memref<512xf32, #tpu.memory_space<vmem>>, vector<16xf32>,
    %swap3A_161 = vector.shape_cast %swap3A_160 : vector<16xf32> to vector<16xf32>
    %swap3A_162 = vector.shape_cast %div3A_158 : vector<16xf32> to vector<16xf32>
    tpu.vector_store %arg6[%swap3A_159], %swap3A_162 {strides = array<i32>} : memref<512xf32, #tpu.memory_space<vmem>>, vector<16xf32>,
    %get3A_163 = arith.constant 112 : index
    %get3A_164 = tpu.vector_load %arg6[%get3A_163] {strides = array<i32>} : memref<512xf32, #tpu.memory_space<vmem>>, vector<16xf32>,
    %get3A_165 = vector.shape_cast %get3A_164 : vector<16xf32> to vector<16xf32>
    %neg3A_166 = arith.constant 0.000000e+00 : f32
    %neg3A_167 = vector.broadcast %neg3A_166 : f32 to vector<16xf32>
    %neg3A_168 = arith.subf %neg3A_167, %get3A_165 : vector<16xf32>
    %exp3A_169 = math.exp %neg3A_168 : vector<16xf32>
    %add3A_170 = arith.constant 1.000000e+00 : f32
    %add3A_171 = vector.broadcast %add3A_170 : f32 to vector<16xf32>
    %add3A_172 = arith.addf %add3A_171, %exp3A_169 : vector<16xf32>
    %div3A_173 = arith.constant 1.000000e+00 : f32
    %div3A_174 = vector.broadcast %div3A_173 : f32 to vector<16xf32>
    %div3A_175 = arith.divf %div3A_174, %add3A_172 : vector<16xf32>
    %swap3A_176 = arith.constant 112 : index
    %swap3A_177 = tpu.vector_load %arg6[%swap3A_176] {strides = array<i32>} : memref<512xf32, #tpu.memory_space<vmem>>, vector<16xf32>,
    %swap3A_178 = vector.shape_cast %swap3A_177 : vector<16xf32> to vector<16xf32>
    %swap3A_179 = vector.shape_cast %div3A_175 : vector<16xf32> to vector<16xf32>
    tpu.vector_store %arg6[%swap3A_176], %swap3A_179 {strides = array<i32>} : memref<512xf32, #tpu.memory_space<vmem>>, vector<16xf32>,
    %get3A_180 = arith.constant 128 : index
    %get3A_181 = tpu.vector_load %arg6[%get3A_180] {strides = array<i32>} : memref<512xf32, #tpu.memory_space<vmem>>, vector<16xf32>,
    %get3A_182 = vector.shape_cast %get3A_181 : vector<16xf32> to vector<16xf32>
    %neg3A_183 = arith.constant 0.000000e+00 : f32
    %neg3A_184 = vector.broadcast %neg3A_183 : f32 to vector<16xf32>
    %neg3A_185 = arith.subf %neg3A_184, %get3A_182 : vector<16xf32>
    %exp3A_186 = math.exp %neg3A_185 : vector<16xf32>
    %add3A_187 = arith.constant 1.000000e+00 : f32
    %add3A_188 = vector.broadcast %add3A_187 : f32 to vector<16xf32>
    %add3A_189 = arith.addf %add3A_188, %exp3A_186 : vector<16xf32>
    %div3A_190 = arith.constant 1.000000e+00 : f32
    %div3A_191 = vector.broadcast %div3A_190 : f32 to vector<16xf32>
    %div3A_192 = arith.divf %div3A_191, %add3A_189 : vector<16xf32>
    %swap3A_193 = arith.constant 128 : index
    %swap3A_194 = tpu.vector_load %arg6[%swap3A_193] {strides = array<i32>} : memref<512xf32, #tpu.memory_space<vmem>>, vector<16xf32>,
    %swap3A_195 = vector.shape_cast %swap3A_194 : vector<16xf32> to vector<16xf32>
    %swap3A_196 = vector.shape_cast %div3A_192 : vector<16xf32> to vector<16xf32>
    tpu.vector_store %arg6[%swap3A_193], %swap3A_196 {strides = array<i32>} : memref<512xf32, #tpu.memory_space<vmem>>, vector<16xf32>,
    %get3A_197 = arith.constant 144 : index
    %get3A_198 = tpu.vector_load %arg6[%get3A_197] {strides = array<i32>} : memref<512xf32, #tpu.memory_space<vmem>>, vector<16xf32>,
    %get3A_199 = vector.shape_cast %get3A_198 : vector<16xf32> to vector<16xf32>
    %neg3A_200 = arith.constant 0.000000e+00 : f32
    %neg3A_201 = vector.broadcast %neg3A_200 : f32 to vector<16xf32>
    %neg3A_202 = arith.subf %neg3A_201, %get3A_199 : vector<16xf32>
    %exp3A_203 = math.exp %neg3A_202 : vector<16xf32>
    %add3A_204 = arith.constant 1.000000e+00 : f32
    %add3A_205 = vector.broadcast %add3A_204 : f32 to vector<16xf32>
    %add3A_206 = arith.addf %add3A_205, %exp3A_203 : vector<16xf32>
    %div3A_207 = arith.constant 1.000000e+00 : f32
    %div3A_208 = vector.broadcast %div3A_207 : f32 to vector<16xf32>
    %div3A_209 = arith.divf %div3A_208, %add3A_206 : vector<16xf32>
    %swap3A_210 = arith.constant 144 : index
    %swap3A_211 = tpu.vector_load %arg6[%swap3A_210] {strides = array<i32>} : memref<512xf32, #tpu.memory_space<vmem>>, vector<16xf32>,
    %swap3A_212 = vector.shape_cast %swap3A_211 : vector<16xf32> to vector<16xf32>
    %swap3A_213 = vector.shape_cast %div3A_209 : vector<16xf32> to vector<16xf32>
    tpu.vector_store %arg6[%swap3A_210], %swap3A_213 {strides = array<i32>} : memref<512xf32, #tpu.memory_space<vmem>>, vector<16xf32>,
    %get3A_214 = arith.constant 160 : index
    %get3A_215 = tpu.vector_load %arg6[%get3A_214] {strides = array<i32>} : memref<512xf32, #tpu.memory_space<vmem>>, vector<16xf32>,
    %get3A_216 = vector.shape_cast %get3A_215 : vector<16xf32> to vector<16xf32>
    %neg3A_217 = arith.constant 0.000000e+00 : f32
    %neg3A_218 = vector.broadcast %neg3A_217 : f32 to vector<16xf32>
    %neg3A_219 = arith.subf %neg3A_218, %get3A_216 : vector<16xf32>
    %exp3A_220 = math.exp %neg3A_219 : vector<16xf32>
    %add3A_221 = arith.constant 1.000000e+00 : f32
    %add3A_222 = vector.broadcast %add3A_221 : f32 to vector<16xf32>
    %add3A_223 = arith.addf %add3A_222, %exp3A_220 : vector<16xf32>
    %div3A_224 = arith.constant 1.000000e+00 : f32
    %div3A_225 = vector.broadcast %div3A_224 : f32 to vector<16xf32>
    %div3A_226 = arith.divf %div3A_225, %add3A_223 : vector<16xf32>
    %swap3A_227 = arith.constant 160 : index
    %swap3A_228 = tpu.vector_load %arg6[%swap3A_227] {strides = array<i32>} : memref<512xf32, #tpu.memory_space<vmem>>, vector<16xf32>,
    %swap3A_229 = vector.shape_cast %swap3A_228 : vector<16xf32> to vector<16xf32>
    %swap3A_230 = vector.shape_cast %div3A_226 : vector<16xf32> to vector<16xf32>
    tpu.vector_store %arg6[%swap3A_227], %swap3A_230 {strides = array<i32>} : memref<512xf32, #tpu.memory_space<vmem>>, vector<16xf32>,
    %get3A_231 = arith.constant 176 : index
    %get3A_232 = tpu.vector_load %arg6[%get3A_231] {strides = array<i32>} : memref<512xf32, #tpu.memory_space<vmem>>, vector<16xf32>,
    %get3A_233 = vector.shape_cast %get3A_232 : vector<16xf32> to vector<16xf32>
    %neg3A_234 = arith.constant 0.000000e+00 : f32
    %neg3A_235 = vector.broadcast %neg3A_234 : f32 to vector<16xf32>
    %neg3A_236 = arith.subf %neg3A_235, %get3A_233 : vector<16xf32>
    %exp3A_237 = math.exp %neg3A_236 : vector<16xf32>
    %add3A_238 = arith.constant 1.000000e+00 : f32
    %add3A_239 = vector.broadcast %add3A_238 : f32 to vector<16xf32>
    %add3A_240 = arith.addf %add3A_239, %exp3A_237 : vector<16xf32>
    %div3A_241 = arith.constant 1.000000e+00 : f32
    %div3A_242 = vector.broadcast %div3A_241 : f32 to vector<16xf32>
    %div3A_243 = arith.divf %div3A_242, %add3A_240 : vector<16xf32>
    %swap3A_244 = arith.constant 176 : index
    %swap3A_245 = tpu.vector_load %arg6[%swap3A_244] {strides = array<i32>} : memref<512xf32, #tpu.memory_space<vmem>>, vector<16xf32>,
    %swap3A_246 = vector.shape_cast %swap3A_245 : vector<16xf32> to vector<16xf32>
    %swap3A_247 = vector.shape_cast %div3A_243 : vector<16xf32> to vector<16xf32>
    tpu.vector_store %arg6[%swap3A_244], %swap3A_247 {strides = array<i32>} : memref<512xf32, #tpu.memory_space<vmem>>, vector<16xf32>,
    %get3A_248 = arith.constant 192 : index
    %get3A_249 = tpu.vector_load %arg6[%get3A_248] {strides = array<i32>} : memref<512xf32, #tpu.memory_space<vmem>>, vector<16xf32>,
    %get3A_250 = vector.shape_cast %get3A_249 : vector<16xf32> to vector<16xf32>
    %neg3A_251 = arith.constant 0.000000e+00 : f32
    %neg3A_252 = vector.broadcast %neg3A_251 : f32 to vector<16xf32>
    %neg3A_253 = arith.subf %neg3A_252, %get3A_250 : vector<16xf32>
    %exp3A_254 = math.exp %neg3A_253 : vector<16xf32>
    %add3A_255 = arith.constant 1.000000e+00 : f32
    %add3A_256 = vector.broadcast %add3A_255 : f32 to vector<16xf32>
    %add3A_257 = arith.addf %add3A_256, %exp3A_254 : vector<16xf32>
    %div3A_258 = arith.constant 1.000000e+00 : f32
    %div3A_259 = vector.broadcast %div3A_258 : f32 to vector<16xf32>
    %div3A_260 = arith.divf %div3A_259, %add3A_257 : vector<16xf32>
    %swap3A_261 = arith.constant 192 : index
    %swap3A_262 = tpu.vector_load %arg6[%swap3A_261] {strides = array<i32>} : memref<512xf32, #tpu.memory_space<vmem>>, vector<16xf32>,
    %swap3A_263 = vector.shape_cast %swap3A_262 : vector<16xf32> to vector<16xf32>
    %swap3A_264 = vector.shape_cast %div3A_260 : vector<16xf32> to vector<16xf32>
    tpu.vector_store %arg6[%swap3A_261], %swap3A_264 {strides = array<i32>} : memref<512xf32, #tpu.memory_space<vmem>>, vector<16xf32>,
    %get3A_265 = arith.constant 208 : index
    %get3A_266 = tpu.vector_load %arg6[%get3A_265] {strides = array<i32>} : memref<512xf32, #tpu.memory_space<vmem>>, vector<16xf32>,
    %get3A_267 = vector.shape_cast %get3A_266 : vector<16xf32> to vector<16xf32>
    %neg3A_268 = arith.constant 0.000000e+00 : f32
    %neg3A_269 = vector.broadcast %neg3A_268 : f32 to vector<16xf32>
    %neg3A_270 = arith.subf %neg3A_269, %get3A_267 : vector<16xf32>
    %exp3A_271 = math.exp %neg3A_270 : vector<16xf32>
    %add3A_272 = arith.constant 1.000000e+00 : f32
    %add3A_273 = vector.broadcast %add3A_272 : f32 to vector<16xf32>
    %add3A_274 = arith.addf %add3A_273, %exp3A_271 : vector<16xf32>
    %div3A_275 = arith.constant 1.000000e+00 : f32
    %div3A_276 = vector.broadcast %div3A_275 : f32 to vector<16xf32>
    %div3A_277 = arith.divf %div3A_276, %add3A_274 : vector<16xf32>
    %swap3A_278 = arith.constant 208 : index
    %swap3A_279 = tpu.vector_load %arg6[%swap3A_278] {strides = array<i32>} : memref<512xf32, #tpu.memory_space<vmem>>, vector<16xf32>,
    %swap3A_280 = vector.shape_cast %swap3A_279 : vector<16xf32> to vector<16xf32>
    %swap3A_281 = vector.shape_cast %div3A_277 : vector<16xf32> to vector<16xf32>
    tpu.vector_store %arg6[%swap3A_278], %swap3A_281 {strides = array<i32>} : memref<512xf32, #tpu.memory_space<vmem>>, vector<16xf32>,
    %get3A_282 = arith.constant 224 : index
    %get3A_283 = tpu.vector_load %arg6[%get3A_282] {strides = array<i32>} : memref<512xf32, #tpu.memory_space<vmem>>, vector<16xf32>,
    %get3A_284 = vector.shape_cast %get3A_283 : vector<16xf32> to vector<16xf32>
    %neg3A_285 = arith.constant 0.000000e+00 : f32
    %neg3A_286 = vector.broadcast %neg3A_285 : f32 to vector<16xf32>
    %neg3A_287 = arith.subf %neg3A_286, %get3A_284 : vector<16xf32>
    %exp3A_288 = math.exp %neg3A_287 : vector<16xf32>
    %add3A_289 = arith.constant 1.000000e+00 : f32
    %add3A_290 = vector.broadcast %add3A_289 : f32 to vector<16xf32>
    %add3A_291 = arith.addf %add3A_290, %exp3A_288 : vector<16xf32>
    %div3A_292 = arith.constant 1.000000e+00 : f32
    %div3A_293 = vector.broadcast %div3A_292 : f32 to vector<16xf32>
    %div3A_294 = arith.divf %div3A_293, %add3A_291 : vector<16xf32>
    %swap3A_295 = arith.constant 224 : index
    %swap3A_296 = tpu.vector_load %arg6[%swap3A_295] {strides = array<i32>} : memref<512xf32, #tpu.memory_space<vmem>>, vector<16xf32>,
    %swap3A_297 = vector.shape_cast %swap3A_296 : vector<16xf32> to vector<16xf32>
    %swap3A_298 = vector.shape_cast %div3A_294 : vector<16xf32> to vector<16xf32>
    tpu.vector_store %arg6[%swap3A_295], %swap3A_298 {strides = array<i32>} : memref<512xf32, #tpu.memory_space<vmem>>, vector<16xf32>,
    %get3A_299 = arith.constant 240 : index
    %get3A_300 = tpu.vector_load %arg6[%get3A_299] {strides = array<i32>} : memref<512xf32, #tpu.memory_space<vmem>>, vector<16xf32>,
    %get3A_301 = vector.shape_cast %get3A_300 : vector<16xf32> to vector<16xf32>
    %neg3A_302 = arith.constant 0.000000e+00 : f32
    %neg3A_303 = vector.broadcast %neg3A_302 : f32 to vector<16xf32>
    %neg3A_304 = arith.subf %neg3A_303, %get3A_301 : vector<16xf32>
    %exp3A_305 = math.exp %neg3A_304 : vector<16xf32>
    %add3A_306 = arith.constant 1.000000e+00 : f32
    %add3A_307 = vector.broadcast %add3A_306 : f32 to vector<16xf32>
    %add3A_308 = arith.addf %add3A_307, %exp3A_305 : vector<16xf32>
    %div3A_309 = arith.constant 1.000000e+00 : f32
    %div3A_310 = vector.broadcast %div3A_309 : f32 to vector<16xf32>
    %div3A_311 = arith.divf %div3A_310, %add3A_308 : vector<16xf32>
    %swap3A_312 = arith.constant 240 : index
    %swap3A_313 = tpu.vector_load %arg6[%swap3A_312] {strides = array<i32>} : memref<512xf32, #tpu.memory_space<vmem>>, vector<16xf32>,
    %swap3A_314 = vector.shape_cast %swap3A_313 : vector<16xf32> to vector<16xf32>
    %swap3A_315 = vector.shape_cast %div3A_311 : vector<16xf32> to vector<16xf32>
    tpu.vector_store %arg6[%swap3A_312], %swap3A_315 {strides = array<i32>} : memref<512xf32, #tpu.memory_space<vmem>>, vector<16xf32>,
    %get3A_316 = arith.constant 256 : index
    %get3A_317 = tpu.vector_load %arg6[%get3A_316] {strides = array<i32>} : memref<512xf32, #tpu.memory_space<vmem>>, vector<16xf32>,
    %get3A_318 = vector.shape_cast %get3A_317 : vector<16xf32> to vector<16xf32>
    %neg3A_319 = arith.constant 0.000000e+00 : f32
    %neg3A_320 = vector.broadcast %neg3A_319 : f32 to vector<16xf32>
    %neg3A_321 = arith.subf %neg3A_320, %get3A_318 : vector<16xf32>
    %exp3A_322 = math.exp %neg3A_321 : vector<16xf32>
    %add3A_323 = arith.constant 1.000000e+00 : f32
    %add3A_324 = vector.broadcast %add3A_323 : f32 to vector<16xf32>
    %add3A_325 = arith.addf %add3A_324, %exp3A_322 : vector<16xf32>
    %div3A_326 = arith.constant 1.000000e+00 : f32
    %div3A_327 = vector.broadcast %div3A_326 : f32 to vector<16xf32>
    %div3A_328 = arith.divf %div3A_327, %add3A_325 : vector<16xf32>
    %swap3A_329 = arith.constant 256 : index
    %swap3A_330 = tpu.vector_load %arg6[%swap3A_329] {strides = array<i32>} : memref<512xf32, #tpu.memory_space<vmem>>, vector<16xf32>,
    %swap3A_331 = vector.shape_cast %swap3A_330 : vector<16xf32> to vector<16xf32>
    %swap3A_332 = vector.shape_cast %div3A_328 : vector<16xf32> to vector<16xf32>
    tpu.vector_store %arg6[%swap3A_329], %swap3A_332 {strides = array<i32>} : memref<512xf32, #tpu.memory_space<vmem>>, vector<16xf32>,
    %get3A_333 = arith.constant 272 : index
    %get3A_334 = tpu.vector_load %arg6[%get3A_333] {strides = array<i32>} : memref<512xf32, #tpu.memory_space<vmem>>, vector<16xf32>,
    %get3A_335 = vector.shape_cast %get3A_334 : vector<16xf32> to vector<16xf32>
    %neg3A_336 = arith.constant 0.000000e+00 : f32
    %neg3A_337 = vector.broadcast %neg3A_336 : f32 to vector<16xf32>
    %neg3A_338 = arith.subf %neg3A_337, %get3A_335 : vector<16xf32>
    %exp3A_339 = math.exp %neg3A_338 : vector<16xf32>
    %add3A_340 = arith.constant 1.000000e+00 : f32
    %add3A_341 = vector.broadcast %add3A_340 : f32 to vector<16xf32>
    %add3A_342 = arith.addf %add3A_341, %exp3A_339 : vector<16xf32>
    %div3A_343 = arith.constant 1.000000e+00 : f32
    %div3A_344 = vector.broadcast %div3A_343 : f32 to vector<16xf32>
    %div3A_345 = arith.divf %div3A_344, %add3A_342 : vector<16xf32>
    %swap3A_346 = arith.constant 272 : index
    %swap3A_347 = tpu.vector_load %arg6[%swap3A_346] {strides = array<i32>} : memref<512xf32, #tpu.memory_space<vmem>>, vector<16xf32>,
    %swap3A_348 = vector.shape_cast %swap3A_347 : vector<16xf32> to vector<16xf32>
    %swap3A_349 = vector.shape_cast %div3A_345 : vector<16xf32> to vector<16xf32>
    tpu.vector_store %arg6[%swap3A_346], %swap3A_349 {strides = array<i32>} : memref<512xf32, #tpu.memory_space<vmem>>, vector<16xf32>,
    %get3A_350 = arith.constant 288 : index
    %get3A_351 = tpu.vector_load %arg6[%get3A_350] {strides = array<i32>} : memref<512xf32, #tpu.memory_space<vmem>>, vector<16xf32>,
    %get3A_352 = vector.shape_cast %get3A_351 : vector<16xf32> to vector<16xf32>
    %neg3A_353 = arith.constant 0.000000e+00 : f32
    %neg3A_354 = vector.broadcast %neg3A_353 : f32 to vector<16xf32>
    %neg3A_355 = arith.subf %neg3A_354, %get3A_352 : vector<16xf32>
    %exp3A_356 = math.exp %neg3A_355 : vector<16xf32>
    %add3A_357 = arith.constant 1.000000e+00 : f32
    %add3A_358 = vector.broadcast %add3A_357 : f32 to vector<16xf32>
    %add3A_359 = arith.addf %add3A_358, %exp3A_356 : vector<16xf32>
    %div3A_360 = arith.constant 1.000000e+00 : f32
    %div3A_361 = vector.broadcast %div3A_360 : f32 to vector<16xf32>
    %div3A_362 = arith.divf %div3A_361, %add3A_359 : vector<16xf32>
    %swap3A_363 = arith.constant 288 : index
    %swap3A_364 = tpu.vector_load %arg6[%swap3A_363] {strides = array<i32>} : memref<512xf32, #tpu.memory_space<vmem>>, vector<16xf32>,
    %swap3A_365 = vector.shape_cast %swap3A_364 : vector<16xf32> to vector<16xf32>
    %swap3A_366 = vector.shape_cast %div3A_362 : vector<16xf32> to vector<16xf32>
    tpu.vector_store %arg6[%swap3A_363], %swap3A_366 {strides = array<i32>} : memref<512xf32, #tpu.memory_space<vmem>>, vector<16xf32>,
    %get3A_367 = arith.constant 304 : index
    %get3A_368 = tpu.vector_load %arg6[%get3A_367] {strides = array<i32>} : memref<512xf32, #tpu.memory_space<vmem>>, vector<16xf32>,
    %get3A_369 = vector.shape_cast %get3A_368 : vector<16xf32> to vector<16xf32>
    %neg3A_370 = arith.constant 0.000000e+00 : f32
    %neg3A_371 = vector.broadcast %neg3A_370 : f32 to vector<16xf32>
    %neg3A_372 = arith.subf %neg3A_371, %get3A_369 : vector<16xf32>
    %exp3A_373 = math.exp %neg3A_372 : vector<16xf32>
    %add3A_374 = arith.constant 1.000000e+00 : f32
    %add3A_375 = vector.broadcast %add3A_374 : f32 to vector<16xf32>
    %add3A_376 = arith.addf %add3A_375, %exp3A_373 : vector<16xf32>
    %div3A_377 = arith.constant 1.000000e+00 : f32
    %div3A_378 = vector.broadcast %div3A_377 : f32 to vector<16xf32>
    %div3A_379 = arith.divf %div3A_378, %add3A_376 : vector<16xf32>
    %swap3A_380 = arith.constant 304 : index
    %swap3A_381 = tpu.vector_load %arg6[%swap3A_380] {strides = array<i32>} : memref<512xf32, #tpu.memory_space<vmem>>, vector<16xf32>,
    %swap3A_382 = vector.shape_cast %swap3A_381 : vector<16xf32> to vector<16xf32>
    %swap3A_383 = vector.shape_cast %div3A_379 : vector<16xf32> to vector<16xf32>
    tpu.vector_store %arg6[%swap3A_380], %swap3A_383 {strides = array<i32>} : memref<512xf32, #tpu.memory_space<vmem>>, vector<16xf32>,
    %get3A_384 = arith.constant 320 : index
    %get3A_385 = tpu.vector_load %arg6[%get3A_384] {strides = array<i32>} : memref<512xf32, #tpu.memory_space<vmem>>, vector<16xf32>,
    %get3A_386 = vector.shape_cast %get3A_385 : vector<16xf32> to vector<16xf32>
    %neg3A_387 = arith.constant 0.000000e+00 : f32
    %neg3A_388 = vector.broadcast %neg3A_387 : f32 to vector<16xf32>
    %neg3A_389 = arith.subf %neg3A_388, %get3A_386 : vector<16xf32>
    %exp3A_390 = math.exp %neg3A_389 : vector<16xf32>
    %add3A_391 = arith.constant 1.000000e+00 : f32
    %add3A_392 = vector.broadcast %add3A_391 : f32 to vector<16xf32>
    %add3A_393 = arith.addf %add3A_392, %exp3A_390 : vector<16xf32>
    %div3A_394 = arith.constant 1.000000e+00 : f32
    %div3A_395 = vector.broadcast %div3A_394 : f32 to vector<16xf32>
    %div3A_396 = arith.divf %div3A_395, %add3A_393 : vector<16xf32>
    %swap3A_397 = arith.constant 320 : index
    %swap3A_398 = tpu.vector_load %arg6[%swap3A_397] {strides = array<i32>} : memref<512xf32, #tpu.memory_space<vmem>>, vector<16xf32>,
    %swap3A_399 = vector.shape_cast %swap3A_398 : vector<16xf32> to vector<16xf32>
    %swap3A_400 = vector.shape_cast %div3A_396 : vector<16xf32> to vector<16xf32>
    tpu.vector_store %arg6[%swap3A_397], %swap3A_400 {strides = array<i32>} : memref<512xf32, #tpu.memory_space<vmem>>, vector<16xf32>,
    %get3A_401 = arith.constant 336 : index
    %get3A_402 = tpu.vector_load %arg6[%get3A_401] {strides = array<i32>} : memref<512xf32, #tpu.memory_space<vmem>>, vector<16xf32>,
    %get3A_403 = vector.shape_cast %get3A_402 : vector<16xf32> to vector<16xf32>
    %neg3A_404 = arith.constant 0.000000e+00 : f32
    %neg3A_405 = vector.broadcast %neg3A_404 : f32 to vector<16xf32>
    %neg3A_406 = arith.subf %neg3A_405, %get3A_403 : vector<16xf32>
    %exp3A_407 = math.exp %neg3A_406 : vector<16xf32>
    %add3A_408 = arith.constant 1.000000e+00 : f32
    %add3A_409 = vector.broadcast %add3A_408 : f32 to vector<16xf32>
    %add3A_410 = arith.addf %add3A_409, %exp3A_407 : vector<16xf32>
    %div3A_411 = arith.constant 1.000000e+00 : f32
    %div3A_412 = vector.broadcast %div3A_411 : f32 to vector<16xf32>
    %div3A_413 = arith.divf %div3A_412, %add3A_410 : vector<16xf32>
    %swap3A_414 = arith.constant 336 : index
    %swap3A_415 = tpu.vector_load %arg6[%swap3A_414] {strides = array<i32>} : memref<512xf32, #tpu.memory_space<vmem>>, vector<16xf32>,
    %swap3A_416 = vector.shape_cast %swap3A_415 : vector<16xf32> to vector<16xf32>
    %swap3A_417 = vector.shape_cast %div3A_413 : vector<16xf32> to vector<16xf32>
    tpu.vector_store %arg6[%swap3A_414], %swap3A_417 {strides = array<i32>} : memref<512xf32, #tpu.memory_space<vmem>>, vector<16xf32>,
    %get3A_418 = arith.constant 352 : index
    %get3A_419 = tpu.vector_load %arg6[%get3A_418] {strides = array<i32>} : memref<512xf32, #tpu.memory_space<vmem>>, vector<16xf32>,
    %get3A_420 = vector.shape_cast %get3A_419 : vector<16xf32> to vector<16xf32>
    %neg3A_421 = arith.constant 0.000000e+00 : f32
    %neg3A_422 = vector.broadcast %neg3A_421 : f32 to vector<16xf32>
    %neg3A_423 = arith.subf %neg3A_422, %get3A_420 : vector<16xf32>
    %exp3A_424 = math.exp %neg3A_423 : vector<16xf32>
    %add3A_425 = arith.constant 1.000000e+00 : f32
    %add3A_426 = vector.broadcast %add3A_425 : f32 to vector<16xf32>
    %add3A_427 = arith.addf %add3A_426, %exp3A_424 : vector<16xf32>
    %div3A_428 = arith.constant 1.000000e+00 : f32
    %div3A_429 = vector.broadcast %div3A_428 : f32 to vector<16xf32>
    %div3A_430 = arith.divf %div3A_429, %add3A_427 : vector<16xf32>
    %swap3A_431 = arith.constant 352 : index
    %swap3A_432 = tpu.vector_load %arg6[%swap3A_431] {strides = array<i32>} : memref<512xf32, #tpu.memory_space<vmem>>, vector<16xf32>,
    %swap3A_433 = vector.shape_cast %swap3A_432 : vector<16xf32> to vector<16xf32>
    %swap3A_434 = vector.shape_cast %div3A_430 : vector<16xf32> to vector<16xf32>
    tpu.vector_store %arg6[%swap3A_431], %swap3A_434 {strides = array<i32>} : memref<512xf32, #tpu.memory_space<vmem>>, vector<16xf32>,
    %get3A_435 = arith.constant 368 : index
    %get3A_436 = tpu.vector_load %arg6[%get3A_435] {strides = array<i32>} : memref<512xf32, #tpu.memory_space<vmem>>, vector<16xf32>,
    %get3A_437 = vector.shape_cast %get3A_436 : vector<16xf32> to vector<16xf32>
    %neg3A_438 = arith.constant 0.000000e+00 : f32
    %neg3A_439 = vector.broadcast %neg3A_438 : f32 to vector<16xf32>
    %neg3A_440 = arith.subf %neg3A_439, %get3A_437 : vector<16xf32>
    %exp3A_441 = math.exp %neg3A_440 : vector<16xf32>
    %add3A_442 = arith.constant 1.000000e+00 : f32
    %add3A_443 = vector.broadcast %add3A_442 : f32 to vector<16xf32>
    %add3A_444 = arith.addf %add3A_443, %exp3A_441 : vector<16xf32>
    %div3A_445 = arith.constant 1.000000e+00 : f32
    %div3A_446 = vector.broadcast %div3A_445 : f32 to vector<16xf32>
    %div3A_447 = arith.divf %div3A_446, %add3A_444 : vector<16xf32>
    %swap3A_448 = arith.constant 368 : index
    %swap3A_449 = tpu.vector_load %arg6[%swap3A_448] {strides = array<i32>} : memref<512xf32, #tpu.memory_space<vmem>>, vector<16xf32>,
    %swap3A_450 = vector.shape_cast %swap3A_449 : vector<16xf32> to vector<16xf32>
    %swap3A_451 = vector.shape_cast %div3A_447 : vector<16xf32> to vector<16xf32>
    tpu.vector_store %arg6[%swap3A_448], %swap3A_451 {strides = array<i32>} : memref<512xf32, #tpu.memory_space<vmem>>, vector<16xf32>,
    %get3A_452 = arith.constant 384 : index
    %get3A_453 = tpu.vector_load %arg6[%get3A_452] {strides = array<i32>} : memref<512xf32, #tpu.memory_space<vmem>>, vector<16xf32>,
    %get3A_454 = vector.shape_cast %get3A_453 : vector<16xf32> to vector<16xf32>
    %neg3A_455 = arith.constant 0.000000e+00 : f32
    %neg3A_456 = vector.broadcast %neg3A_455 : f32 to vector<16xf32>
    %neg3A_457 = arith.subf %neg3A_456, %get3A_454 : vector<16xf32>
    %exp3A_458 = math.exp %neg3A_457 : vector<16xf32>
    %add3A_459 = arith.constant 1.000000e+00 : f32
    %add3A_460 = vector.broadcast %add3A_459 : f32 to vector<16xf32>
    %add3A_461 = arith.addf %add3A_460, %exp3A_458 : vector<16xf32>
    %div3A_462 = arith.constant 1.000000e+00 : f32
    %div3A_463 = vector.broadcast %div3A_462 : f32 to vector<16xf32>
    %div3A_464 = arith.divf %div3A_463, %add3A_461 : vector<16xf32>
    %swap3A_465 = arith.constant 384 : index
    %swap3A_466 = tpu.vector_load %arg6[%swap3A_465] {strides = array<i32>} : memref<512xf32, #tpu.memory_space<vmem>>, vector<16xf32>,
    %swap3A_467 = vector.shape_cast %swap3A_466 : vector<16xf32> to vector<16xf32>
    %swap3A_468 = vector.shape_cast %div3A_464 : vector<16xf32> to vector<16xf32>
    tpu.vector_store %arg6[%swap3A_465], %swap3A_468 {strides = array<i32>} : memref<512xf32, #tpu.memory_space<vmem>>, vector<16xf32>,
    %get3A_469 = arith.constant 400 : index
    %get3A_470 = tpu.vector_load %arg6[%get3A_469] {strides = array<i32>} : memref<512xf32, #tpu.memory_space<vmem>>, vector<16xf32>,
    %get3A_471 = vector.shape_cast %get3A_470 : vector<16xf32> to vector<16xf32>
    %neg3A_472 = arith.constant 0.000000e+00 : f32
    %neg3A_473 = vector.broadcast %neg3A_472 : f32 to vector<16xf32>
    %neg3A_474 = arith.subf %neg3A_473, %get3A_471 : vector<16xf32>
    %exp3A_475 = math.exp %neg3A_474 : vector<16xf32>
    %add3A_476 = arith.constant 1.000000e+00 : f32
    %add3A_477 = vector.broadcast %add3A_476 : f32 to vector<16xf32>
    %add3A_478 = arith.addf %add3A_477, %exp3A_475 : vector<16xf32>
    %div3A_479 = arith.constant 1.000000e+00 : f32
    %div3A_480 = vector.broadcast %div3A_479 : f32 to vector<16xf32>
    %div3A_481 = arith.divf %div3A_480, %add3A_478 : vector<16xf32>
    %swap3A_482 = arith.constant 400 : index
    %swap3A_483 = tpu.vector_load %arg6[%swap3A_482] {strides = array<i32>} : memref<512xf32, #tpu.memory_space<vmem>>, vector<16xf32>,
    %swap3A_484 = vector.shape_cast %swap3A_483 : vector<16xf32> to vector<16xf32>
    %swap3A_485 = vector.shape_cast %div3A_481 : vector<16xf32> to vector<16xf32>
    tpu.vector_store %arg6[%swap3A_482], %swap3A_485 {strides = array<i32>} : memref<512xf32, #tpu.memory_space<vmem>>, vector<16xf32>,
    %get3A_486 = arith.constant 416 : index
    %get3A_487 = tpu.vector_load %arg6[%get3A_486] {strides = array<i32>} : memref<512xf32, #tpu.memory_space<vmem>>, vector<16xf32>,
    %get3A_488 = vector.shape_cast %get3A_487 : vector<16xf32> to vector<16xf32>
    %neg3A_489 = arith.constant 0.000000e+00 : f32
    %neg3A_490 = vector.broadcast %neg3A_489 : f32 to vector<16xf32>
    %neg3A_491 = arith.subf %neg3A_490, %get3A_488 : vector<16xf32>
    %exp3A_492 = math.exp %neg3A_491 : vector<16xf32>
    %add3A_493 = arith.constant 1.000000e+00 : f32
    %add3A_494 = vector.broadcast %add3A_493 : f32 to vector<16xf32>
    %add3A_495 = arith.addf %add3A_494, %exp3A_492 : vector<16xf32>
    %div3A_496 = arith.constant 1.000000e+00 : f32
    %div3A_497 = vector.broadcast %div3A_496 : f32 to vector<16xf32>
    %div3A_498 = arith.divf %div3A_497, %add3A_495 : vector<16xf32>
    %swap3A_499 = arith.constant 416 : index
    %swap3A_500 = tpu.vector_load %arg6[%swap3A_499] {strides = array<i32>} : memref<512xf32, #tpu.memory_space<vmem>>, vector<16xf32>,
    %swap3A_501 = vector.shape_cast %swap3A_500 : vector<16xf32> to vector<16xf32>
    %swap3A_502 = vector.shape_cast %div3A_498 : vector<16xf32> to vector<16xf32>
    tpu.vector_store %arg6[%swap3A_499], %swap3A_502 {strides = array<i32>} : memref<512xf32, #tpu.memory_space<vmem>>, vector<16xf32>,
    %get3A_503 = arith.constant 432 : index
    %get3A_504 = tpu.vector_load %arg6[%get3A_503] {strides = array<i32>} : memref<512xf32, #tpu.memory_space<vmem>>, vector<16xf32>,
    %get3A_505 = vector.shape_cast %get3A_504 : vector<16xf32> to vector<16xf32>
    %neg3A_506 = arith.constant 0.000000e+00 : f32
    %neg3A_507 = vector.broadcast %neg3A_506 : f32 to vector<16xf32>
    %neg3A_508 = arith.subf %neg3A_507, %get3A_505 : vector<16xf32>
    %exp3A_509 = math.exp %neg3A_508 : vector<16xf32>
    %add3A_510 = arith.constant 1.000000e+00 : f32
    %add3A_511 = vector.broadcast %add3A_510 : f32 to vector<16xf32>
    %add3A_512 = arith.addf %add3A_511, %exp3A_509 : vector<16xf32>
    %div3A_513 = arith.constant 1.000000e+00 : f32
    %div3A_514 = vector.broadcast %div3A_513 : f32 to vector<16xf32>
    %div3A_515 = arith.divf %div3A_514, %add3A_512 : vector<16xf32>
    %swap3A_516 = arith.constant 432 : index
    %swap3A_517 = tpu.vector_load %arg6[%swap3A_516] {strides = array<i32>} : memref<512xf32, #tpu.memory_space<vmem>>, vector<16xf32>,
    %swap3A_518 = vector.shape_cast %swap3A_517 : vector<16xf32> to vector<16xf32>
    %swap3A_519 = vector.shape_cast %div3A_515 : vector<16xf32> to vector<16xf32>
    tpu.vector_store %arg6[%swap3A_516], %swap3A_519 {strides = array<i32>} : memref<512xf32, #tpu.memory_space<vmem>>, vector<16xf32>,
    %get3A_520 = arith.constant 448 : index
    %get3A_521 = tpu.vector_load %arg6[%get3A_520] {strides = array<i32>} : memref<512xf32, #tpu.memory_space<vmem>>, vector<16xf32>,
    %get3A_522 = vector.shape_cast %get3A_521 : vector<16xf32> to vector<16xf32>
    %neg3A_523 = arith.constant 0.000000e+00 : f32
    %neg3A_524 = vector.broadcast %neg3A_523 : f32 to vector<16xf32>
    %neg3A_525 = arith.subf %neg3A_524, %get3A_522 : vector<16xf32>
    %exp3A_526 = math.exp %neg3A_525 : vector<16xf32>
    %add3A_527 = arith.constant 1.000000e+00 : f32
    %add3A_528 = vector.broadcast %add3A_527 : f32 to vector<16xf32>
    %add3A_529 = arith.addf %add3A_528, %exp3A_526 : vector<16xf32>
    %div3A_530 = arith.constant 1.000000e+00 : f32
    %div3A_531 = vector.broadcast %div3A_530 : f32 to vector<16xf32>
    %div3A_532 = arith.divf %div3A_531, %add3A_529 : vector<16xf32>
    %swap3A_533 = arith.constant 448 : index
    %swap3A_534 = tpu.vector_load %arg6[%swap3A_533] {strides = array<i32>} : memref<512xf32, #tpu.memory_space<vmem>>, vector<16xf32>,
    %swap3A_535 = vector.shape_cast %swap3A_534 : vector<16xf32> to vector<16xf32>
    %swap3A_536 = vector.shape_cast %div3A_532 : vector<16xf32> to vector<16xf32>
    tpu.vector_store %arg6[%swap3A_533], %swap3A_536 {strides = array<i32>} : memref<512xf32, #tpu.memory_space<vmem>>, vector<16xf32>,
    %get3A_537 = arith.constant 464 : index
    %get3A_538 = tpu.vector_load %arg6[%get3A_537] {strides = array<i32>} : memref<512xf32, #tpu.memory_space<vmem>>, vector<16xf32>,
    %get3A_539 = vector.shape_cast %get3A_538 : vector<16xf32> to vector<16xf32>
    %neg3A_540 = arith.constant 0.000000e+00 : f32
    %neg3A_541 = vector.broadcast %neg3A_540 : f32 to vector<16xf32>
    %neg3A_542 = arith.subf %neg3A_541, %get3A_539 : vector<16xf32>
    %exp3A_543 = math.exp %neg3A_542 : vector<16xf32>
    %add3A_544 = arith.constant 1.000000e+00 : f32
    %add3A_545 = vector.broadcast %add3A_544 : f32 to vector<16xf32>
    %add3A_546 = arith.addf %add3A_545, %exp3A_543 : vector<16xf32>
    %div3A_547 = arith.constant 1.000000e+00 : f32
    %div3A_548 = vector.broadcast %div3A_547 : f32 to vector<16xf32>
    %div3A_549 = arith.divf %div3A_548, %add3A_546 : vector<16xf32>
    %swap3A_550 = arith.constant 464 : index
    %swap3A_551 = tpu.vector_load %arg6[%swap3A_550] {strides = array<i32>} : memref<512xf32, #tpu.memory_space<vmem>>, vector<16xf32>,
    %swap3A_552 = vector.shape_cast %swap3A_551 : vector<16xf32> to vector<16xf32>
    %swap3A_553 = vector.shape_cast %div3A_549 : vector<16xf32> to vector<16xf32>
    tpu.vector_store %arg6[%swap3A_550], %swap3A_553 {strides = array<i32>} : memref<512xf32, #tpu.memory_space<vmem>>, vector<16xf32>,
    %get3A_554 = arith.constant 480 : index
    %get3A_555 = tpu.vector_load %arg6[%get3A_554] {strides = array<i32>} : memref<512xf32, #tpu.memory_space<vmem>>, vector<16xf32>,
    %get3A_556 = vector.shape_cast %get3A_555 : vector<16xf32> to vector<16xf32>
    %neg3A_557 = arith.constant 0.000000e+00 : f32
    %neg3A_558 = vector.broadcast %neg3A_557 : f32 to vector<16xf32>
    %neg3A_559 = arith.subf %neg3A_558, %get3A_556 : vector<16xf32>
    %exp3A_560 = math.exp %neg3A_559 : vector<16xf32>
    %add3A_561 = arith.constant 1.000000e+00 : f32
    %add3A_562 = vector.broadcast %add3A_561 : f32 to vector<16xf32>
    %add3A_563 = arith.addf %add3A_562, %exp3A_560 : vector<16xf32>
    %div3A_564 = arith.constant 1.000000e+00 : f32
    %div3A_565 = vector.broadcast %div3A_564 : f32 to vector<16xf32>
    %div3A_566 = arith.divf %div3A_565, %add3A_563 : vector<16xf32>
    %swap3A_567 = arith.constant 480 : index
    %swap3A_568 = tpu.vector_load %arg6[%swap3A_567] {strides = array<i32>} : memref<512xf32, #tpu.memory_space<vmem>>, vector<16xf32>,
    %swap3A_569 = vector.shape_cast %swap3A_568 : vector<16xf32> to vector<16xf32>
    %swap3A_570 = vector.shape_cast %div3A_566 : vector<16xf32> to vector<16xf32>
    tpu.vector_store %arg6[%swap3A_567], %swap3A_570 {strides = array<i32>} : memref<512xf32, #tpu.memory_space<vmem>>, vector<16xf32>,
    %get3A_571 = arith.constant 496 : index
    %get3A_572 = tpu.vector_load %arg6[%get3A_571] {strides = array<i32>} : memref<512xf32, #tpu.memory_space<vmem>>, vector<16xf32>,
    %get3A_573 = vector.shape_cast %get3A_572 : vector<16xf32> to vector<16xf32>
    %neg3A_574 = arith.constant 0.000000e+00 : f32
    %neg3A_575 = vector.broadcast %neg3A_574 : f32 to vector<16xf32>
    %neg3A_576 = arith.subf %neg3A_575, %get3A_573 : vector<16xf32>
    %exp3A_577 = math.exp %neg3A_576 : vector<16xf32>
    %add3A_578 = arith.constant 1.000000e+00 : f32
    %add3A_579 = vector.broadcast %add3A_578 : f32 to vector<16xf32>
    %add3A_580 = arith.addf %add3A_579, %exp3A_577 : vector<16xf32>
    %div3A_581 = arith.constant 1.000000e+00 : f32
    %div3A_582 = vector.broadcast %div3A_581 : f32 to vector<16xf32>
    %div3A_583 = arith.divf %div3A_582, %add3A_580 : vector<16xf32>
    %swap3A_584 = arith.constant 496 : index
    %swap3A_585 = tpu.vector_load %arg6[%swap3A_584] {strides = array<i32>} : memref<512xf32, #tpu.memory_space<vmem>>, vector<16xf32>,
    %swap3A_586 = vector.shape_cast %swap3A_585 : vector<16xf32> to vector<16xf32>
    %swap3A_587 = vector.shape_cast %div3A_583 : vector<16xf32> to vector<16xf32>
    tpu.vector_store %arg6[%swap3A_584], %swap3A_587 {strides = array<i32>} : memref<512xf32, #tpu.memory_space<vmem>>, vector<16xf32>,
    "tpu.region"() ({
      %run_scoped3A = tpu.sem_alloc : memref<!tpu.dma_semaphore, #tpu.memory_space<semaphore_mem>>
      %dma_start3A_588 = tpu.memref_slice %arg4[%mul3A_2] : memref<16384xf32, #tpu.memory_space<hbm>> -> memref<512xf32, #tpu.memory_space<hbm>>
      %dma_start3A_589 = tpu.memref_slice %arg4[%mul3A_2] : memref<16384xf32, #tpu.memory_space<hbm>> -> memref<512xf32, #tpu.memory_space<hbm>>
      tpu.enqueue_dma source(%arg6 : memref<512xf32, #tpu.memory_space<vmem>>) target(%dma_start3A_589 : memref<512xf32, #tpu.memory_space<hbm>>) target_semaphore(%run_scoped3A : memref<!tpu.dma_semaphore, #tpu.memory_space<semaphore_mem>>)
      %dma_wait3A_590 = tpu.memref_slice %arg4[%mul3A_2] : memref<16384xf32, #tpu.memory_space<hbm>> -> memref<512xf32, #tpu.memory_space<hbm>>
      %dma_wait3A_591 = tpu.memref_slice %arg4[%mul3A_2] : memref<16384xf32, #tpu.memory_space<hbm>> -> memref<512xf32, #tpu.memory_space<hbm>>
      tpu.wait_dma2 semaphore(%run_scoped3A : memref<!tpu.dma_semaphore, #tpu.memory_space<semaphore_mem>>) src(%arg6 : memref<512xf32, #tpu.memory_space<vmem>>) dst(%dma_wait3A_591 : memref<512xf32, #tpu.memory_space<hbm>>)
      tpu.yield
    }) : () -> ()
    return
  }
}

</mosaic_0001>

<sc_bundles>
// kernel: _sc_gather_sigmoid.3.cloned.1.call-start
scs
__scs_entry_jumppad:
0x0: {  	(pc) =	sbr.rel $0x88, $3  }
0x1: {  	(tag) =	ssettag $0x0;
	lr =	simm.s32 $0x1  }
0x2: {  	[smem:$0x3F9F] =	sst lr;
	_ =	strace $0xD0000000  }
0x3: {  	_ = 	snop  }
0x4: {  	_ = 	snop  }
0x5: {  	_ = 	snop  }
0x6: {  	_ = 	snop  }
0x7: {  	_ = 	snop  }
__scs_overlays_trampoline_lowered:
0x8: {  	[smem:$0x3FAE] =	sst s0  }
0x9: {  	[smem:$0x3FAF] =	sst s1  }
0xa: {  	[smem:$0x3FB0] =	sst s2  }
0xb: {  	[smem:$0x3FB1] =	sst s3  }
0xc: {  	[smem:$0x3FB2] =	sst s4  }
0xd: {  	[smem:$0x3FB3] =	sst s5  }
0xe: {  	[smem:$0x3FB4] =	sst s6  }
0xf: {  	[smem:$0x3FB5] =	sst s7  }
0x10: {  	[smem:$0x3FB6] =	sst s8  }
0x11: {  	[smem:$0x3FB7] =	sst s9;
	s0 =	simm.s32 @!p0 $0x0  }
0x12: {  	s1 =	sld [smem:$0x3F9D];
	s0 =	simm.s32 @p0 $0x1  }
0x13: {  	[smem:$0x3FB8] =	sst s0;
	s0 =	simm.s32 @!p1 $0x0  }
0x14: {  	s2 =	sld [smem:$0x3F9C];
	s0 =	simm.s32 @p1 $0x1  }
0x15: {  	[smem:$0x3FB9] =	sst s0;
	s0 =	simm.s32 @!p2 $0x0  }
0x16: {  	s3 =	sld [smem:$0x3FDB];
	s0 =	simm.s32 @p2 $0x1  }
0x17: {  	s4 =	simm.s32 $0x1BF5;
	[smem:$0x3FBB] =	sst s0  }
0x18: {  	s0 =	sld [smem:$0x3F9E];
	_ =	swait.ge [sflag:s4], $0x0  }
0x19: {  	s7 =	sld [smem:$0x3F9F]  }
0x1a: {  	s8 =	sadd.s32 $0xFFFFE003, lr  }
0x1b: {  	s9 =	sadd.s32 $0xFFFFFEF7, lr;
	s5 =	simm.s32 $0xFFFFFFFF;
	p2 =	slt.u32 s8, $0xFFFFF086  }
0x1c: {  	p1 =	slt.u32 s9, $0xF7A;
	s5 =	simm.s32 @!p2 $0x0  }
0x1d: {  	s5 =	simm.s32 @p1 $0x1;
	p0 =	seq.s32 s7, s2  }
0x1e: {  	s7 =	smul.u32 @!p0 $0xF7A, s2;
	p2 =	seq.s32 @!p0 s5, $0x0  }
0x1f: {  	s9 =	smul.u32 $0xF7A, s1;
	s8 =	simm.s32 @!p0 $0x1BF5;
	p2 =	por !p2, p0  }
0x20: {  	[sflag:s8] =	ssyncset.s32 @!p0 $0xFFFFF086;
	s6 =	sadd.s32 @!p0 s3, s7;
	s7 =	simm.s32 @!p0 $0x108  }
0x21: {  	s3 =	sadd.s32 s3, s9;
	s6 =	sadd.s32 @!p0 $0x88, s6;
	s7 =	simm.s32 @p2 $0x1082  }
0x22: {  	[simem:s7], [sflag:s8] =	dma.local @!p0 [hbm:s6], $0xF7A  }
0x23: {  	s9 =	sor.u32 $0xD0000000, s2;
	s6 =	simm.s32 $0x108;
	_ =	swait.ge @!p0 [sflag:s8], $0x0  }
0x24: {  	s3 =	sadd.s32 $0x88, s3;
	s6 =	simm.s32 @!p1 $0x1082;
	[sflag:s4] =	ssyncset.s32 $0xFFFFF086  }
0x25: {  	[simem:s6], [sflag:s4] =	dma.local [hbm:s3], $0xF7A  }
0x26: {  	[smem:$0x3F9F] =	sst s1;
	(tag) =	ssettag s2;
	_ =	strace s9  }
0x27: {  	s1 =	sld [smem:$0x3FAF]  }
0x28: {  	s2 =	sld [smem:$0x3FB0]  }
0x29: {  	s4 =	sld [smem:$0x3FB2]  }
0x2a: {  	p0 =	seq.s32 s5, $0x0;
	s5 =	sld [smem:$0x3FB3]  }
0x2b: {  	s6 =	sld [smem:$0x3FB4]  }
0x2c: {  	s7 =	sld [smem:$0x3FB5]  }
0x2d: {  	s3 =	simm.s32 $0x108;
	s8 =	sld [smem:$0x3FB6]  }
0x2e: {  	s3 =	simm.s32 @!p0 $0x1082;
	s9 =	sld [smem:$0x3FB7]  }
0x2f: {  	lr =	sadd.s32 s0, s3;
	s0 =	sld [smem:$0x3FAE]  }
0x30: {  	s3 =	sld [smem:$0x3FB1]  }
0x31: {  	[smem:$0x3FBA] =	sst s10  }
0x32: {  	s10 =	sld [smem:$0x3FB8];
	_ =	sdelay $0x3  }
0x33: {  	p0 =	seq.s32 s10, $0x1;
	s10 =	sld [smem:$0x3FBA];
	_ =	sdelay $0x3  }
0x34: {  	[smem:$0x3FBA] =	sst s10  }
0x35: {  	s10 =	sld [smem:$0x3FB9];
	_ =	sdelay $0x3  }
0x36: {  	p1 =	seq.s32 s10, $0x1;
	s10 =	sld [smem:$0x3FBA];
	_ =	sdelay $0x3  }
0x37: {  	[smem:$0x3FBA] =	sst s10  }
0x38: {  	s10 =	sld [smem:$0x3FBB]  }
0x39: {  	_ = 	snop;
	(pc) =	sbr.ind lr, $3  }
0x3a: {  	_ = 	snop  }
0x3b: {  	_ = 	snop  }
0x3c: {  	p2 =	seq.s32 s10, $0x1;
	s10 =	sld [smem:$0x3FBA]  }
0x3d: {  	_ =	shalt  }
0x3e: {  	_ =	shalt  }
0x3f: {  	_ =	shalt  }
0x40: {  	_ =	shalt  }
0x41: {  	_ =	shalt  }
0x42: {  	_ =	shalt  }
0x43: {  	_ =	shalt  }
0x44: {  	_ =	shalt  }
0x45: {  	_ =	shalt  }
0x46: {  	_ =	shalt  }
0x47: {  	_ =	shalt  }
0x48: {  	_ =	shalt  }
0x49: {  	_ =	shalt  }
0x4a: {  	_ =	shalt  }
0x4b: {  	_ =	shalt  }
0x4c: {  	_ =	shalt  }
0x4d: {  	_ =	shalt  }
0x4e: {  	_ =	shalt  }
0x4f: {  	_ =	shalt  }
0x50: {  	_ =	shalt  }
0x51: {  	_ =	shalt  }
0x52: {  	_ =	shalt  }
0x53: {  	_ =	shalt  }
0x54: {  	_ =	shalt  }
0x55: {  	_ =	shalt  }
0x56: {  	_ =	shalt  }
0x57: {  	_ =	shalt  }
0x58: {  	_ =	shalt  }
0x59: {  	_ =	shalt  }
0x5a: {  	_ =	shalt  }
0x5b: {  	_ =	shalt  }
0x5c: {  	_ =	shalt  }
0x5d: {  	_ =	shalt  }
0x5e: {  	_ =	shalt  }
0x5f: {  	_ =	shalt  }
0x60: {  	_ =	shalt  }
0x61: {  	_ =	shalt  }
0x62: {  	_ =	shalt  }
0x63: {  	_ =	shalt  }
0x64: {  	_ =	shalt  }
0x65: {  	_ =	shalt  }
0x66: {  	_ =	shalt  }
0x67: {  	_ =	shalt  }
0x68: {  	_ =	shalt  }
0x69: {  	_ =	shalt  }
0x6a: {  	_ =	shalt  }
0x6b: {  	_ =	shalt  }
0x6c: {  	_ =	shalt  }
0x6d: {  	_ =	shalt  }
0x6e: {  	_ =	shalt  }
0x6f: {  	_ =	shalt  }
0x70: {  	_ =	shalt  }
0x71: {  	_ =	shalt  }
0x72: {  	_ =	shalt  }
0x73: {  	_ =	shalt  }
0x74: {  	_ =	shalt  }
0x75: {  	_ =	shalt  }
0x76: {  	_ =	shalt  }
0x77: {  	_ =	shalt  }
0x78: {  	_ =	shalt  }
0x79: {  	_ =	shalt  }
0x7a: {  	_ =	shalt  }
0x7b: {  	_ =	shalt  }
0x7c: {  	_ =	shalt  }
0x7d: {  	_ =	shalt  }
0x7e: {  	_ =	shalt  }
0x7f: {  	_ =	shalt  }
0x80: {  	_ =	shalt  }
0x81: {  	_ =	shalt  }
0x82: {  	_ =	shalt  }
0x83: {  	_ =	shalt  }
0x84: {  	_ =	shalt  }
0x85: {  	_ =	shalt  }
0x86: {  	_ =	shalt  }
0x87: {  	_ =	shalt  }
.Lfunc_end0:
.L_simem_size_0:
called_computation_lowered:
.L_overlay_start_0:
0x88: {  	s2 =	sld [smem:$0x3FD9]  }
0x89: {  	s3 =	sld [smem:$0x3FFE];
	_ =	sdelay $0x1  }
0x8a: {  	s1 =	srdreg.scid  }
0x8b: {  	s0 =	sand.u32 $0x1, s1  }
0x8c: {  	s18 =	sshll.u32 s0, $0xA;
	s2 =	sadd.s32 s3, s2  }
0x8d: {  	s2 =	sadd.s32 s2, s18  }
0x8e: {  	[smem:$0x3FC6] =	sst s2  }
0x8f: {  	_ = 	snop  }
0x90: {  	s2 =	sld [smem:$0x3FC9]  }
0x91: {  	s19 =	sld [smem:$0x3FC8]  }
0x92: {  	s4 =	sld [smem:$0x3FD0];
	(tm) =	ssettm $0x1  }
0x93: {  	s5 =	sld [smem:$0x3FFB];
	_ =	sdelay $0x3  }
0x94: {  	_ =	strace s5  }
0x95: {  	s5 =	sld [smem:$0x3FFC];
	_ =	sdelay $0x3  }
0x96: {  	_ =	strace s5  }
0x97: {  	s5 =	sld [smem:$0x3FFD];
	_ =	sdelay $0x3  }
0x98: {  	_ =	strace s5  }
0x99: {  	_ =	strace $0x8FFFFFFF  }
0x9a: {  	s20 =	sld [smem:$0x3FDB];
	_ =	sdelay $0x1  }
0x9b: {  	s6 =	simm.s32 $_scs_section_size  }
0x9c: {  	s7 =	simm.s32 $_size__tile_overlayer_lowered;
	s8 =	simm.s32 $_tile_overlayer_lowered  }
0x9d: {  	s23 =	simm.s32 $0x1BFF;
	s22 =	sshll.u32 s8, $0x1;
	s5 =	sadd.s32 s6, s20  }
0x9e: {  	s9 =	simm.s32 $0x0;
	s21 =	sshll.u32 s7, $0x1;
	s7 =	sadd.s32 s22, s5  }
0x9f: {  	[timem:s9], [sflag:s23] =	dma.local [hbm:s7], s21  }
0xa0: {  	_ =	swait.ge [sflag:s23], s21  }
0xa1: {  	s6 =	ssub.s32 $0x0, s21;
	[sflag:s23] =	ssyncset.done $0x0  }
0xa2: {  	[sflag:s23] =	ssyncadd.s32 s6;
	_ =	sdelay $0x1  }
0xa3: {  	s24 =	simm.s32 $0x1B8B  }
0xa4: {  	_ =	swait.ge [sflag:s24], $0x1  }
0xa5: {  	[sflag:s24] =	ssyncset.done $0x0  }
0xa6: {  	s25 =	simm.s32 $0x1B8E;
	[sflag:s24] =	ssyncadd.s32 $0xFFFFFFFF  }
0xa7: {  	s26 =	simm.s32 $execute0_lowered;
	[smem:$0x3FD2] =	sst s25  }
0xa8: {  	s6 =	sshll.u32 s26, $0x1;
	_ =	strace $0x80000046;
	[dreg:$0x1] =	wrdreg $0xFFFFFFFF  }
0xa9: {  	s28 =	simm.s32 $_size_execute0_lowered;
	s5 =	sadd.s32 s5, s6;
	[dreg:$0x0] =	wrdreg $0x0  }
0xaa: {  	s6 =	sshll.u32 s28, $0x1;
	[dreg:$0x2] =	wrdreg s5  }
0xab: {  	[dreg:$0x3] =	wrdreg s6  }
0xac: {  	[dreg:$0x4] =	wrdreg $0xC0  }
0xad: {  	_ =	task [dreg:s9], $0x5FFFF  }
0xae: {  	[dreg:$0x1] =	wrdreg $0xFFFFFFFF  }
0xaf: {  	[dreg:$0x0] =	wrdreg $0x60  }
0xb0: {  	[dreg:$0x2] =	wrdreg s2  }
0xb1: {  	[dreg:$0x3] =	wrdreg s19  }
0xb2: {  	[dreg:$0x4] =	wrdreg s4  }
0xb3: {  	[dreg:$0x5] =	wrdreg $0x9  }
0xb4: {  	_ =	task.clear_ibuf [dreg:s9], $0x6FFFF;
	_ =	strace $0x90000046  }
0xb5: {  	s29 =	simm.s32 $0x9;
	_ =	strace $0x80000048  }
0xb6: {  	_ =	swait.ge [sflag:s29], $0x1  }
0xb7: {  	[sflag:s29] =	ssyncadd.s32 $0xFFFFFFFF  }
0xb8: {  	_ =	strace $0x90000048  }
0xb9: {  	_ =	sfence  }
0xba: {  	s30 =	sld [smem:$0x0];
	_ =	sdelay $0x2  }
0xbb: {  	s31 =	sshll.u32 s1, $0xD;
	s1 =	sshrl.u32 s1, $0x2  }
0xbc: {  	s3 =	sand.u32 $0x4000, s31;
	s1 =	sadd.s32 s1, s30  }
0xbd: {  	s0 =	sor.u32 s3, s0;
	s1 =	sshll.u32 s1, $0x11  }
0xbe: {  	s0 =	sor.u32 s1, s0  }
0xbf: {  	s0 =	sadd.s32 $0x8F2B, s0  }
0xc0: {  	[sflag:s0] =	ssyncadd.remote.s32 $0x1  }
0xc1: {  	_ =	sfence.sel $0xFFFF  }
0xc2: {  	[dreg:$0x0] =	wrdreg $0xFFFFFFFF;
	(pc) =	sbr.abs _section_cstart, $3  }
0xc3: {  	[dreg:$0x1] =	wrdreg $0xFFFFFFFF  }
0xc4: {  	_ =	task.clear_ibuf [dreg:s9], $0x2FFFF;
	_ =	strace $0x9FFFFFFF  }
0xc5: {  	(tm) =	ssettm $0x7FFFFFFF  }
tec
execute0_lowered:
.L_overlay_start_1:
0x0: {  	(tag) =	ssettag $0x1  }
0x1: {  	s6 =	rddreg [dreg:$0x0]  }
0x2: {  	s3 =	rddreg [dreg:$0x1]  }
0x3: {  	s5 =	rddreg [dreg:$0x2];
	s2 =	srdreg.scid  }
0x4: {  	s0 =	rddreg [dreg:$0x3];
	s1 =	stileid.u32;
	s16 =	sand.u32 $0x1, s2  }
0x5: {  	s2 =	simm.s32 $0x0;
	s4 =	sshll.u32 s1, $0x7;
	s7 =	sshll.u32 s16, $0x6  }
0x6: {  	[smem:$0x7FF] =	sst s2;
	s15 =	sor.u32 s7, s4  }
0x7: {  	_ =	strace $0x80000047;
	s7 =	sadd.s32 s3, s15;
	s3 =	simm.s32 $0x2  }
0x8: {  	[tilespmem:s2], [sflag:$0x2] =	stream.linear.gather [hbm4b:s7+s2], $0x200, $0x38;
	[tilespmem:$0x400] =	vst v63  }
0x9: {  	_ =	swait.ge [sflag:s3], $0x200  }
0xa: {  	[sflag:s3] =	ssyncset.done $0x0  }
0xb: {  	s8 =	simm.s32 $0x80;
	s4 =	simm.s32 $0x200;
	[sflag:s3] =	ssyncadd.s32 $0xFFFFFE00  }
0xc: {  	[tilespmem:s4], [sflag:$0x1] =	stream.indirect.gather [hbm4b:s6+s8], $0x1, s2, s8, $0xb8;
	[tilespmem:$0x400] =	vst v63  }
0xd: {  	s9 =	simm.s32 $0x280  }
0xe: {  	[tilespmem:s9], [sflag:$0x1] =	stream.indirect.gather [hbm4b:s6+s8], $0x1, s8, s8, $0xb8;
	[tilespmem:$0x400] =	vst v63  }
0xf: {  	s10 =	simm.s32 $0x100;
	s11 =	simm.s32 $0x300  }
0x10: {  	[tilespmem:s11], [sflag:$0x1] =	stream.indirect.gather [hbm4b:s6+s8], $0x1, s10, s8, $0xb8;
	[tilespmem:$0x400] =	vst v63  }
0x11: {  	s12 =	simm.s32 $0x180;
	s13 =	simm.s32 $0x380;
	s14 =	simm.s32 $0x1  }
0x12: {  	[tilespmem:s13], [sflag:$0x1] =	stream.indirect.gather [hbm4b:s6+s8], $0x1, s12, s8, $0xb8;
	[tilespmem:$0x400] =	vst v63  }
0x13: {  	_ =	swait.ge [sflag:s14], $0x80  }
0x14: {  	[sflag:s14] =	ssyncset.done $0x0  }
0x15: {  	[sflag:s14] =	ssyncadd.s32 $0xFFFFFF80  }
0x16: {  	_ =	swait.ge [sflag:s14], $0x80  }
0x17: {  	[sflag:s14] =	ssyncset.done $0x0  }
0x18: {  	[sflag:s14] =	ssyncadd.s32 $0xFFFFFF80  }
0x19: {  	_ =	swait.ge [sflag:s14], $0x80  }
0x1a: {  	[sflag:s14] =	ssyncset.done $0x0  }
0x1b: {  	[sflag:s14] =	ssyncadd.s32 $0xFFFFFF80  }
0x1c: {  	_ =	swait.ge [sflag:s14], $0x80  }
0x1d: {  	[sflag:s14] =	ssyncset.done $0x0  }
0x1e: {  	[sflag:s14] =	ssyncadd.s32 $0xFFFFFF80  }
0x1f: {  	v0 =	vld [tilespmem:$0x3F0]  }
0x20: {  	v1 =	vld [tilespmem:$0x370]  }
0x21: {  	v2 =	vld [tilespmem:$0x300]  }
0x22: {  	v4 =	vld [tilespmem:$0x250]  }
0x23: {  	v6 =	vld [tilespmem:$0x220]  }
0x24: {  	v7 =	vld [tilespmem:$0x210];
	v0 =	vsub.f32 $0.0e+00, v0  }
0x25: {  	v8 =	vld [tilespmem:$0x200];
	v1 =	vsub.f32 $0.0e+00, v1  }
0x26: {  	v5 =	vld [tilespmem:$0x240];
	v2 =	vsub.f32 $0.0e+00, v2;
	v0 =	vmul.f32 $1.442695020e+00, v0  }
0x27: {  	v9 =	vld [tilespmem:$0x3E0];
	v1 =	vmul.f32 $1.442695020e+00, v1  }
0x28: {  	(erf) = vpow2.f32 v0;
	v0 =	vmul.f32 $1.442695020e+00, v2;
	v2 =	vld [tilespmem:$0x270]  }
0x29: {  	v3 =	vld [tilespmem:$0x260];
	v10 =	vsub.f32 $0.0e+00, v7  }
0x2a: {  	v7 =	vsub.f32 $0.0e+00, v8;
	(erf) = vpow2.f32 v1;
	v1 =	vsub.f32 $0.0e+00, v6;
	v6 =	vld [tilespmem:$0x280]  }
0x2b: {  	v4 =	vsub.f32 $0.0e+00, v4;
	v8 =	vld [tilespmem:$0x2A0];
	(erf) = vpow2.f32 v0;
	v0 =	vsub.f32 $0.0e+00, v5  }
0x2c: {  	v11 =	vld [tilespmem:$0x2B0];
	v9 =	vsub.f32 $0.0e+00, v9;
	v7 =	vmul.f32 $1.442695020e+00, v7  }
0x2d: {  	v4 =	vmul.f32 $1.442695020e+00, v4;
	v5 =	vld [tilespmem:$0x290];
	v0 =	vmul.f32 $1.442695020e+00, v0;
	v2 =	vsub.f32 $0.0e+00, v2  }
0x2e: {  	v12 =	vld [tilespmem:$0x2C0];
	v3 =	vsub.f32 $0.0e+00, v3;
	v9 =	vmul.f32 $1.442695020e+00, v9;
	v1 =	vmul.f32 $1.442695020e+00, v1  }
0x2f: {  	v13 =	vld [tilespmem:$0x2D0];
	v6 =	vsub.f32 $0.0e+00, v6;
	(erf) = vpow2.f32 v0;
	v2 =	vmul.f32 $1.442695020e+00, v2  }
0x30: {  	v14 =	vld [tilespmem:$0x2E0];
	v3 =	vmul.f32 $1.442695020e+00, v3;
	(erf) = vpow2.f32 v7;
	v7 =	vsub.f32 $0.0e+00, v8  }
0x31: {  	v8 =	vld [tilespmem:$0x2F0];
	v6 =	vmul.f32 $1.442695020e+00, v6;
	(erf) = vpow2.f32 v1;
	v1 =	vsub.f32 $0.0e+00, v11  }
0x32: {  	v5 =	vsub.f32 $0.0e+00, v5;
	v0 =	vpop (erf);
	(erf) = vpow2.f32 v2;
	v7 =	vmul.f32 $1.442695020e+00, v7  }
0x33: {  	v17 =	vld [tilespmem:$0x330];
	v1 =	vmul.f32 $1.442695020e+00, v1;
	(erf) = vpow2.f32 v9;
	v9 =	vsub.f32 $0.0e+00, v12;
	v2 =	vpop (erf)  }
0x34: {  	v11 =	vld [tilespmem:$0x310];
	(erf) = vpow2.f32 v4;
	v15 =	vadd.f32 $1.000000000e+00, v2;
	v2 =	vsub.f32 $0.0e+00, v13;
	v4 =	vpop (erf)  }
0x35: {  	v12 =	vsub.f32 $0.0e+00, v14;
	v13 =	vld [tilespmem:$0x320];
	(erf) = vpow2.f32 v7;
	v7 =	vadd.f32 $1.000000000e+00, v4  }
0x36: {  	v14 =	vld [tilespmem:$0x350];
	(erf) = vpow2.f32 v1;
	v16 =	vmul.f32 $1.442695020e+00, v2;
	v2 =	vsub.f32 $0.0e+00, v8  }
0x37: {  	v5 =	vmul.f32 $1.442695020e+00, v5;
	v8 =	vld [tilespmem:$0x340];
	(erf) = vpow2.f32 v6  }
0x38: {  	s16 =	ssub.s32 $0x2, s16;
	v17 =	vsub.f32 $0.0e+00, v17;
	v12 =	vmul.f32 $1.442695020e+00, v12;
	(erf) = vrcp.f32 v7  }
0x39: {  	s17 =	sshrl.u32 s16, $0x1;
	v22 =	vsub.f32 $0.0e+00, v11;
	v4 =	vmul.f32 $1.442695020e+00, v9;
	v18 =	vpop (erf);
	(erf) = vrcp.f32 v15  }
0x3a: {  	s16 =	ssub.s32 s16, s17;
	v20 =	vld [tilespmem:$0x3B0];
	v1 =	vmul.f32 $1.442695020e+00, v2;
	v6 =	vsub.f32 $0.0e+00, v13;
	(erf) = vpow2.f32 v5;
	v2 =	vpop (erf)  }
0x3b: {  	s16 =	smax.u32 s16, $0x1;
	v11 =	vld [tilespmem:$0x360];
	v23 =	vadd.f32 $1.000000000e+00, v2;
	v2 =	vmul.f32 $1.442695020e+00, v10;
	v9 =	vpop (erf);
	v10 =	vsub.f32 $0.0e+00, v14  }
0x3c: {  	p0 =	sne.s32 s16, $0x1;
	v7 =	vld [tilespmem:$0x230];
	v22 =	vmul.f32 $1.442695020e+00, v22;
	(erf) = vpow2.f32 v3;
	v8 =	vsub.f32 $0.0e+00, v8;
	v5 =	vpop (erf)  }
.Ltmp0:
0x3d: {  	v15 =	vld [tilespmem:$0x380];
	v13 =	vadd.f32 $1.000000000e+00, v18;
	v6 =	vmul.f32 $1.442695020e+00, v6;
	(erf) = vpow2.f32 v12;
	v3 =	vpop (erf);
	(pc) =	sbr.rel @!p0 .LBB2_2-.Ltmp0, $4  }
0x3e: {  	v14 =	vld [tilespmem:$0x3A0];
	v24 =	vadd.f32 $1.000000000e+00, v9;
	(erf) = vpow2.f32 v16;
	v19 =	vadd.f32 $1.000000000e+00, v3;
	v3 =	vpop (erf)  }
0x3f: {  	v9 =	vld [tilespmem:$0x390];
	v21 =	vmul.f32 $1.442695020e+00, v10;
	(erf) = vpow2.f32 v6;
	v12 =	vadd.f32 $1.000000000e+00, v5;
	v10 =	vpop (erf)  }
0x40: {  	v16 =	vld [tilespmem:$0x3D0];
	(erf) = vrcp.f32 v23;
	v18 =	vadd.f32 $1.000000000e+00, v3;
	v3 =	vmul.f32 $1.442695020e+00, v8;
	v8 =	vpop (erf)  }
0x41: {  	s5 =	sadd.s32 s5, s15;
	s15 =	sadd.s32 $0xFFFFFFFF, s16;
	v6 =	vld [tilespmem:$0x3C0];
	v5 =	vmul.f32 $1.442695020e+00, v17;
	(erf) = vrcp.f32 v24;
	v17 =	vadd.f32 $1.000000000e+00, v8;
	v8 =	vpop (erf)  }
.LBB2_1:
0x42: {  	p0 =	sne.s32 s15, $0x1;
	s15 =	sadd.s32 $0xFFFFFFFF, s15;
	v7 =	vsub.f32 $0.0e+00, v7;
	v11 =	vsub.f32 $0.0e+00, v11;
	v23 =	vpop (erf);
	(erf) = vpow2.f32 v21  }
0x43: {  	v15 =	vsub.f32 $0.0e+00, v15;
	v20 =	vsub.f32 $0.0e+00, v20;
	[tilespmem:$0x300] =	vst v23;
	(erf) = vpow2.f32 v22;
	v21 =	vpop (erf)  }
0x44: {  	v14 =	vsub.f32 $0.0e+00, v14;
	v7 =	vmul.f32 $1.442695020e+00, v7;
	[tilespmem:$0x370] =	vst v21;
	v21 =	vpop (erf);
	(erf) = vrcp.f32 v19  }
0x45: {  	v9 =	vsub.f32 $0.0e+00, v9;
	v15 =	vmul.f32 $1.442695020e+00, v15;
	(erf) = vrcp.f32 v13;
	v13 =	vpop (erf)  }
0x46: {  	v16 =	vsub.f32 $0.0e+00, v16;
	v19 =	vmul.f32 $1.442695020e+00, v20;
	(erf) = vrcp.f32 v18;
	v18 =	vpop (erf)  }
0x47: {  	v13 =	vadd.f32 $1.000000000e+00, v13;
	v18 =	vadd.f32 $1.000000000e+00, v18;
	v20 =	vpop (erf);
	(erf) = vpow2.f32 v15  }
0x48: {  	v10 =	vadd.f32 $1.000000000e+00, v10;
	v15 =	vadd.f32 $1.000000000e+00, v20;
	v20 =	vpop (erf);
	(erf) = vpow2.f32 v19  }
0x49: {  	v19 =	vadd.f32 $1.000000000e+00, v21;
	v20 =	vadd.f32 $1.000000000e+00, v20;
	v21 =	vpop (erf);
	(erf) = vrcp.f32 v17  }
0x4a: {  	v0 =	vadd.f32 $1.000000000e+00, v0;
	v11 =	vmul.f32 $1.442695020e+00, v11;
	v17 =	vpop (erf);
	(erf) = vpow2.f32 v7  }
0x4b: {  	v7 =	vmul.f32 $1.442695020e+00, v14;
	[tilespmem:$0x200] =	vst v21;
	(erf) = vpow2.f32 v4;
	v4 =	vpop (erf)  }
0x4c: {  	v8 =	vadd.f32 $1.000000000e+00, v8;
	v4 =	vadd.f32 $1.000000000e+00, v4;
	v14 =	vpop (erf);
	(erf) = vrcp.f32 v0  }
0x4d: {  	v21 =	vsub.f32 $0.0e+00, v6;
	v0 =	vadd.f32 $1.000000000e+00, v14;
	(erf) = vrcp.f32 v12;
	v12 =	vpop (erf)  }
0x4e: {  	v9 =	vmul.f32 $1.442695020e+00, v9;
	v14 =	vpop (erf);
	(erf) = vpow2.f32 v1  }
0x4f: {  	v1 =	vmul.f32 $1.442695020e+00, v21;
	[tilespmem:$0x240] =	vst v14;
	v6 =	vpop (erf);
	(erf) = vpow2.f32 v11  }
0x50: {  	v11 =	vmul.f32 $1.442695020e+00, v16;
	[tilespmem:$0x3E0] =	vst v12;
	(erf) = vpow2.f32 v2;
	v2 =	vpop (erf)  }
0x51: {  	[tilespmem:$0x220] =	vst v17;
	v2 =	vadd.f32 $1.000000000e+00, v2;
	(erf) = vpow2.f32 v7;
	v7 =	vpop (erf)  }
0x52: {  	[tilespmem:$0x250] =	vst v6;
	v6 =	vadd.f32 $1.000000000e+00, v7;
	v7 =	vpop (erf);
	(erf) = vrcp.f32 v15  }
0x53: {  	[tilespmem:$0x2B0] =	vst v7;
	v7 =	vpop (erf);
	(erf) = vpow2.f32 v11  }
0x54: {  	v7 =	vadd.f32 $1.000000000e+00, v7;
	v11 =	vpop (erf);
	(erf) = vpow2.f32 v9  }
0x55: {  	v9 =	vadd.f32 $1.000000000e+00, v11;
	(erf) = vpow2.f32 v5;
	v5 =	vpop (erf)  }
0x56: {  	[tilespmem:$0x3F0] =	vst v5;
	v5 =	vpop (erf);
	(erf) = vpow2.f32 v3  }
0x57: {  	[tilespmem:$0x270] =	vst v5;
	v3 =	vpop (erf);
	(erf) = vrcp.f32 v20  }
0x58: {  	v3 =	vadd.f32 $1.000000000e+00, v3;
	(erf) = vrcp.f32 v18;
	v5 =	vpop (erf)  }
0x59: {  	v5 =	vadd.f32 $1.000000000e+00, v5;
	v11 =	vpop (erf);
	(erf) = vpow2.f32 v1  }
0x5a: {  	v1 =	vadd.f32 $1.000000000e+00, v11;
	(erf) = vrcp.f32 v10;
	v10 =	vpop (erf)  }
0x5b: {  	v10 =	vadd.f32 $1.000000000e+00, v10;
	v11 =	vpop (erf);
	(erf) = vrcp.f32 v4  }
0x5c: {  	[tilespmem:$0x2D0] =	vst v11;
	(erf) = vrcp.f32 v13;
	v4 =	vpop (erf)  }
0x5d: {  	v4 =	vadd.f32 $1.000000000e+00, v4;
	(erf) = vrcp.f32 v19;
	v11 =	vpop (erf)  }
0x5e: {  	v11 =	vadd.f32 $1.000000000e+00, v11;
	(erf) = vrcp.f32 v0;
	v0 =	vpop (erf)  }
0x5f: {  	v0 =	vadd.f32 $1.000000000e+00, v0;
	(erf) = vrcp.f32 v8;
	v8 =	vpop (erf)  }
0x60: {  	v8 =	vadd.f32 $1.000000000e+00, v8;
	v12 =	vpop (erf);
	(erf) = vrcp.f32 v4  }
0x61: {  	[tilespmem:$0x320] =	vst v12;
	v4 =	vpop (erf);
	(erf) = vrcp.f32 v2  }
0x62: {  	[tilespmem:$0x2E0] =	vst v4;
	(erf) = vrcp.f32 v5;
	v2 =	vpop (erf)  }
0x63: {  	v2 =	vadd.f32 $1.000000000e+00, v2;
	v4 =	vpop (erf);
	(erf) = vrcp.f32 v6  }
0x64: {  	[tilespmem:$0x2A0] =	vst v4;
	(erf) = vrcp.f32 v7;
	v4 =	vpop (erf)  }
0x65: {  	[tilespmem:$0x350] =	vst v4;
	v4 =	vpop (erf);
	(erf) = vrcp.f32 v10  }
0x66: {  	[tilespmem:$0x260] =	vst v4;
	v4 =	vpop (erf);
	(erf) = vrcp.f32 v11  }
0x67: {  	[tilespmem:$0x290] =	vst v4;
	v4 =	vpop (erf);
	(erf) = vrcp.f32 v0  }
0x68: {  	[tilespmem:$0x310] =	vst v4;
	(erf) = vrcp.f32 v1;
	v0 =	vpop (erf)  }
0x69: {  	[tilespmem:$0x280] =	vst v0;
	(erf) = vrcp.f32 v3;
	v0 =	vpop (erf)  }
0x6a: {  	[tilespmem:$0x3D0] =	vst v0;
	(erf) = vrcp.f32 v8;
	v0 =	vpop (erf)  }
0x6b: {  	[tilespmem:$0x380] =	vst v0;
	v0 =	vpop (erf);
	(erf) = vrcp.f32 v2  }
0x6c: {  	[tilespmem:$0x360] =	vst v0;
	(erf) = vrcp.f32 v9;
	v0 =	vpop (erf)  }
0x6d: {  	[tilespmem:$0x3B0] =	vst v0;
	v0 =	vpop (erf)  }
0x6e: {  	[tilespmem:$0x230] =	vst v0;
	v0 =	vpop (erf)  }
0x6f: {  	[tilespmem:$0x3A0] =	vst v0;
	v0 =	vpop (erf)  }
0x70: {  	[tilespmem:$0x390] =	vst v0;
	v0 =	vpop (erf)  }
0x71: {  	[tilespmem:$0x330] =	vst v0;
	v0 =	vpop (erf)  }
0x72: {  	[tilespmem:$0x210] =	vst v0;
	v0 =	vpop (erf)  }
0x73: {  	[tilespmem:$0x2F0] =	vst v0;
	v0 =	vpop (erf)  }
0x74: {  	[tilespmem:$0x340] =	vst v0;
	v0 =	vpop (erf)  }
0x75: {  	[tilespmem:$0x3C0] =	vst v0;
	v0 =	vpop (erf)  }
0x76: {  	[tilespmem:$0x2C0] =	vst v0  }
0x77: {  	[hbm4b:s5+s2] =	stream.linear.scatter [tilespmem:s4], [sflag:$0x2], $0x200, $0x38;
	[tilespmem:$0x400] =	vst v63  }
0x78: {  	_ =	swait.ge [sflag:s3], $0x200  }
0x79: {  	[sflag:s3] =	ssyncset.done $0x0  }
0x7a: {  	[sflag:s3] =	ssyncadd.s32 $0xFFFFFE00  }
0x7b: {  	[tilespmem:s2], [sflag:$0x2] =	stream.linear.gather [hbm4b:s7+s2], $0x200, $0x38;
	[tilespmem:$0x400] =	vst v63  }
0x7c: {  	_ =	swait.ge [sflag:s3], $0x200  }
0x7d: {  	[sflag:s3] =	ssyncset.done $0x0  }
0x7e: {  	[sflag:s3] =	ssyncadd.s32 $0xFFFFFE00  }
0x7f: {  	[tilespmem:s4], [sflag:$0x1] =	stream.indirect.gather [hbm4b:s6+s8], $0x1, s2, s8, $0xb8;
	[tilespmem:$0x400] =	vst v63  }
0x80: {  	_ = 	snop  }
0x81: {  	[tilespmem:s9], [sflag:$0x1] =	stream.indirect.gather [hbm4b:s6+s8], $0x1, s8, s8, $0xb8;
	[tilespmem:$0x400] =	vst v63  }
0x82: {  	_ = 	snop  }
0x83: {  	[tilespmem:s11], [sflag:$0x1] =	stream.indirect.gather [hbm4b:s6+s8], $0x1, s10, s8, $0xb8;
	[tilespmem:$0x400] =	vst v63  }
0x84: {  	_ = 	snop  }
0x85: {  	[tilespmem:s13], [sflag:$0x1] =	stream.indirect.gather [hbm4b:s6+s8], $0x1, s12, s8, $0xb8;
	[tilespmem:$0x400] =	vst v63  }
0x86: {  	_ =	swait.ge [sflag:s14], $0x80  }
0x87: {  	[sflag:s14] =	ssyncset.done $0x0  }
0x88: {  	[sflag:s14] =	ssyncadd.s32 $0xFFFFFF80  }
0x89: {  	_ =	swait.ge [sflag:s14], $0x80  }
0x8a: {  	[sflag:s14] =	ssyncset.done $0x0  }
0x8b: {  	[sflag:s14] =	ssyncadd.s32 $0xFFFFFF80  }
0x8c: {  	_ =	swait.ge [sflag:s14], $0x80  }
0x8d: {  	[sflag:s14] =	ssyncset.done $0x0  }
0x8e: {  	[sflag:s14] =	ssyncadd.s32 $0xFFFFFF80  }
0x8f: {  	_ =	swait.ge [sflag:s14], $0x80  }
0x90: {  	[sflag:s14] =	ssyncset.done $0x0  }
0x91: {  	[sflag:s14] =	ssyncadd.s32 $0xFFFFFF80  }
0x92: {  	v0 =	vld [tilespmem:$0x3F0]  }
0x93: {  	v1 =	vld [tilespmem:$0x370]  }
0x94: {  	v2 =	vld [tilespmem:$0x300]  }
0x95: {  	v3 =	vld [tilespmem:$0x260]  }
0x96: {  	v4 =	vld [tilespmem:$0x250]  }
0x97: {  	v5 =	vld [tilespmem:$0x240];
	v0 =	vsub.f32 $0.0e+00, v0  }
0x98: {  	v6 =	vld [tilespmem:$0x220];
	v1 =	vsub.f32 $0.0e+00, v1  }
0x99: {  	v7 =	vld [tilespmem:$0x210];
	v2 =	vsub.f32 $0.0e+00, v2;
	v0 =	vmul.f32 $1.442695020e+00, v0  }
0x9a: {  	v8 =	vld [tilespmem:$0x200];
	v1 =	vmul.f32 $1.442695020e+00, v1  }
0x9b: {  	v2 =	vmul.f32 $1.442695020e+00, v2;
	v9 =	vld [tilespmem:$0x3E0];
	(erf) = vpow2.f32 v0  }
0x9c: {  	v0 =	vld [tilespmem:$0x270];
	(erf) = vpow2.f32 v1  }
0x9d: {  	v1 =	vsub.f32 $0.0e+00, v6;
	v6 =	vld [tilespmem:$0x280];
	(erf) = vpow2.f32 v2  }
0x9e: {  	v5 =	vsub.f32 $0.0e+00, v5;
	v2 =	vsub.f32 $0.0e+00, v7;
	v7 =	vld [tilespmem:$0x290]  }
0x9f: {  	v4 =	vsub.f32 $0.0e+00, v4;
	v8 =	vsub.f32 $0.0e+00, v8;
	v1 =	vmul.f32 $1.442695020e+00, v1;
	v10 =	vld [tilespmem:$0x2A0]  }
0xa0: {  	v3 =	vsub.f32 $0.0e+00, v3;
	v5 =	vmul.f32 $1.442695020e+00, v5;
	v11 =	vld [tilespmem:$0x2B0];
	v9 =	vsub.f32 $0.0e+00, v9  }
0xa1: {  	v4 =	vmul.f32 $1.442695020e+00, v4;
	v8 =	vmul.f32 $1.442695020e+00, v8;
	v16 =	vsub.f32 $0.0e+00, v0;
	v12 =	vld [tilespmem:$0x2C0]  }
0xa2: {  	v6 =	vsub.f32 $0.0e+00, v6;
	v13 =	vld [tilespmem:$0x2D0];
	v9 =	vmul.f32 $1.442695020e+00, v9;
	(erf) = vpow2.f32 v5  }
0xa3: {  	v17 =	vmul.f32 $1.442695020e+00, v16;
	v18 =	vsub.f32 $0.0e+00, v7;
	v15 =	vld [tilespmem:$0x2E0];
	(erf) = vpow2.f32 v8  }
0xa4: {  	v6 =	vmul.f32 $1.442695020e+00, v6;
	v8 =	vsub.f32 $0.0e+00, v10;
	v10 =	vld [tilespmem:$0x2F0];
	(erf) = vpow2.f32 v1;
	v0 =	vpop (erf)  }
0xa5: {  	v7 =	vld [tilespmem:$0x230];
	v16 =	vmul.f32 $1.442695020e+00, v18;
	v1 =	vsub.f32 $0.0e+00, v11;
	(erf) = vpow2.f32 v17;
	v5 =	vpop (erf)  }
0xa6: {  	v3 =	vmul.f32 $1.442695020e+00, v3;
	v8 =	vmul.f32 $1.442695020e+00, v8;
	v11 =	vld [tilespmem:$0x310];
	v5 =	vadd.f32 $1.000000000e+00, v5;
	v14 =	vpop (erf)  }
0xa7: {  	v1 =	vmul.f32 $1.442695020e+00, v1;
	v13 =	vsub.f32 $0.0e+00, v13;
	v17 =	vld [tilespmem:$0x320];
	(erf) = vpow2.f32 v9  }
0xa8: {  	v9 =	vsub.f32 $0.0e+00, v12;
	v12 =	vsub.f32 $0.0e+00, v15;
	v18 =	vld [tilespmem:$0x330];
	(erf) = vpow2.f32 v4  }
0xa9: {  	v22 =	vmul.f32 $1.442695020e+00, v13;
	v4 =	vsub.f32 $0.0e+00, v10;
	v10 =	vld [tilespmem:$0x340];
	(erf) = vpow2.f32 v8  }
0xaa: {  	v14 =	vadd.f32 $1.000000000e+00, v14;
	v8 =	vmul.f32 $1.442695020e+00, v12;
	v19 =	vld [tilespmem:$0x350];
	(erf) = vpow2.f32 v1  }
0xab: {  	v1 =	vmul.f32 $1.442695020e+00, v4;
	v23 =	vsub.f32 $0.0e+00, v11;
	v11 =	vld [tilespmem:$0x360];
	v13 =	vpop (erf);
	(erf) = vpow2.f32 v6  }
0xac: {  	v4 =	vmul.f32 $1.442695020e+00, v9;
	v6 =	vsub.f32 $0.0e+00, v17;
	v15 =	vld [tilespmem:$0x380];
	v9 =	vpop (erf);
	(erf) = vrcp.f32 v14  }
0xad: {  	v2 =	vmul.f32 $1.442695020e+00, v2;
	v17 =	vadd.f32 $1.000000000e+00, v9;
	v9 =	vld [tilespmem:$0x390];
	v12 =	vpop (erf);
	(erf) = vrcp.f32 v5  }
0xae: {  	v13 =	vadd.f32 $1.000000000e+00, v13;
	v24 =	vadd.f32 $1.000000000e+00, v12;
	v14 =	vld [tilespmem:$0x3A0];
	v5 =	vpop (erf);
	(erf) = vpow2.f32 v16  }
0xaf: {  	v27 =	vsub.f32 $0.0e+00, v10;
	v12 =	vsub.f32 $0.0e+00, v19;
	v20 =	vld [tilespmem:$0x3B0];
	(erf) = vpow2.f32 v3  }
.Ltmp1:
0xb0: {  	v26 =	vsub.f32 $0.0e+00, v18;
	v25 =	vmul.f32 $1.442695020e+00, v6;
	v6 =	vld [tilespmem:$0x3C0];
	(erf) = vpow2.f32 v8;
	v3 =	vpop (erf);
	(pc) =	sbr.rel @p0 .LBB2_1-.Ltmp1, $4  }
0xb1: {  	v21 =	vmul.f32 $1.442695020e+00, v12;
	v16 =	vld [tilespmem:$0x3D0];
	v19 =	vadd.f32 $1.000000000e+00, v3;
	v3 =	vpop (erf);
	(erf) = vpow2.f32 v22  }
0xb2: {  	v18 =	vadd.f32 $1.000000000e+00, v3;
	v3 =	vmul.f32 $1.442695020e+00, v27;
	v10 =	vpop (erf);
	(erf) = vpow2.f32 v25  }
0xb3: {  	v12 =	vadd.f32 $1.000000000e+00, v5;
	v5 =	vmul.f32 $1.442695020e+00, v26;
	(erf) = vrcp.f32 v17;
	v8 =	vpop (erf)  }
0xb4: {  	v22 =	vmul.f32 $1.442695020e+00, v23;
	v17 =	vadd.f32 $1.000000000e+00, v8;
	(erf) = vrcp.f32 v24;
	v8 =	vpop (erf)  }
.LBB2_2:
0xb5: {  	v23 =	vpop (erf);
	(erf) = vpow2.f32 v21  }
0xb6: {  	v15 =	vsub.f32 $0.0e+00, v15;
	(erf) = vpow2.f32 v22;
	v34 =	vpop (erf)  }
0xb7: {  	v20 =	vsub.f32 $0.0e+00, v20;
	v35 =	vpop (erf);
	(erf) = vrcp.f32 v19  }
0xb8: {  	v15 =	vmul.f32 $1.442695020e+00, v15;
	(erf) = vrcp.f32 v13;
	v36 =	vpop (erf)  }
0xb9: {  	v7 =	vsub.f32 $0.0e+00, v7;
	v37 =	vmul.f32 $1.442695020e+00, v20;
	(erf) = vrcp.f32 v18;
	v38 =	vpop (erf)  }
0xba: {  	v39 =	vpop (erf);
	(erf) = vpow2.f32 v15  }
0xbb: {  	v7 =	vmul.f32 $1.442695020e+00, v7;
	v40 =	vpop (erf);
	(erf) = vpow2.f32 v37  }
0xbc: {  	v41 =	vpop (erf);
	(erf) = vrcp.f32 v17  }
0xbd: {  	v0 =	vadd.f32 $1.000000000e+00, v0;
	v42 =	vpop (erf);
	(erf) = vpow2.f32 v7  }
0xbe: {  	v43 =	vsub.f32 $0.0e+00, v11;
	(erf) = vpow2.f32 v4;
	v44 =	vpop (erf)  }
0xbf: {  	v45 =	vpop (erf);
	(erf) = vrcp.f32 v0  }
0xc0: {  	v46 =	vsub.f32 $0.0e+00, v14;
	v7 =	vmul.f32 $1.442695020e+00, v43;
	(erf) = vrcp.f32 v12;
	v47 =	vpop (erf)  }
0xc1: {  	v48 =	vpop (erf);
	(erf) = vpow2.f32 v1  }
0xc2: {  	v49 =	vsub.f32 $0.0e+00, v16;
	v0 =	vmul.f32 $1.442695020e+00, v46;
	v50 =	vpop (erf);
	(erf) = vpow2.f32 v7  }
0xc3: {  	v51 =	vsub.f32 $0.0e+00, v9;
	v52 =	vadd.f32 $1.000000000e+00, v39;
	(erf) = vpow2.f32 v2;
	v53 =	vpop (erf)  }
0xc4: {  	v1 =	vmul.f32 $1.442695020e+00, v49;
	(erf) = vpow2.f32 v0;
	v54 =	vpop (erf)  }
0xc5: {  	v7 =	vmul.f32 $1.442695020e+00, v51;
	v55 =	vpop (erf);
	(erf) = vrcp.f32 v52  }
0xc6: {  	v56 =	vpop (erf);
	(erf) = vpow2.f32 v1  }
0xc7: {  	v57 =	vpop (erf);
	(erf) = vpow2.f32 v7  }
0xc8: {  	v6 =	vsub.f32 $0.0e+00, v6;
	v58 =	vadd.f32 $1.000000000e+00, v40;
	(erf) = vpow2.f32 v5;
	v59 =	vpop (erf)  }
0xc9: {  	v60 =	vadd.f32 $1.000000000e+00, v38;
	v61 =	vpop (erf);
	(erf) = vpow2.f32 v3  }
0xca: {  	[tilespmem:$0x300] =	vst v23;
	v62 =	vmul.f32 $1.442695020e+00, v6;
	v63 =	vpop (erf);
	(erf) = vrcp.f32 v58  }
0xcb: {  	v21 =	vadd.f32 $1.000000000e+00, v10;
	[tilespmem:$0x370] =	vst v34;
	(erf) = vrcp.f32 v60;
	v23 =	vpop (erf)  }
0xcc: {  	[tilespmem:$0x200] =	vst v41;
	v4 =	vadd.f32 $1.000000000e+00, v44;
	v24 =	vpop (erf);
	(erf) = vpow2.f32 v62  }
0xcd: {  	v25 =	vadd.f32 $1.000000000e+00, v36;
	[tilespmem:$0x220] =	vst v42;
	(erf) = vrcp.f32 v21;
	v26 =	vpop (erf)  }
0xce: {  	v27 =	vadd.f32 $1.000000000e+00, v35;
	[tilespmem:$0x3E0] =	vst v47;
	v28 =	vpop (erf);
	(erf) = vrcp.f32 v4  }
0xcf: {  	v29 =	vadd.f32 $1.000000000e+00, v45;
	[tilespmem:$0x240] =	vst v48;
	(erf) = vrcp.f32 v25;
	v30 =	vpop (erf)  }
0xd0: {  	v8 =	vadd.f32 $1.000000000e+00, v8;
	[tilespmem:$0x250] =	vst v50;
	(erf) = vrcp.f32 v27;
	v31 =	vpop (erf)  }
0xd1: {  	[tilespmem:$0x2B0] =	vst v55;
	v3 =	vadd.f32 $1.000000000e+00, v30;
	(erf) = vrcp.f32 v29;
	v32 =	vpop (erf)  }
0xd2: {  	v2 =	vadd.f32 $1.000000000e+00, v53;
	[tilespmem:$0x3F0] =	vst v59;
	(erf) = vrcp.f32 v8;
	v33 =	vpop (erf)  }
0xd3: {  	[tilespmem:$0x270] =	vst v61;
	v34 =	vadd.f32 $1.000000000e+00, v23;
	v35 =	vpop (erf);
	(erf) = vrcp.f32 v3  }
0xd4: {  	v0 =	vadd.f32 $1.000000000e+00, v54;
	[tilespmem:$0x2D0] =	vst v28;
	v36 =	vpop (erf);
	(erf) = vrcp.f32 v2  }
0xd5: {  	v37 =	vadd.f32 $1.000000000e+00, v56;
	[tilespmem:$0x320] =	vst v35;
	(erf) = vrcp.f32 v34;
	v38 =	vpop (erf)  }
0xd6: {  	v7 =	vadd.f32 $1.000000000e+00, v26;
	[tilespmem:$0x2E0] =	vst v36;
	v39 =	vpop (erf);
	(erf) = vrcp.f32 v0  }
0xd7: {  	v40 =	vadd.f32 $1.000000000e+00, v31;
	[tilespmem:$0x2A0] =	vst v39;
	(erf) = vrcp.f32 v37;
	v41 =	vpop (erf)  }
0xd8: {  	v42 =	vadd.f32 $1.000000000e+00, v32;
	[tilespmem:$0x350] =	vst v41;
	v43 =	vpop (erf);
	(erf) = vrcp.f32 v7  }
0xd9: {  	v44 =	vadd.f32 $1.000000000e+00, v24;
	[tilespmem:$0x260] =	vst v43;
	v45 =	vpop (erf);
	(erf) = vrcp.f32 v40  }
0xda: {  	v46 =	vadd.f32 $1.000000000e+00, v63;
	[tilespmem:$0x290] =	vst v45;
	v47 =	vpop (erf);
	(erf) = vrcp.f32 v42  }
0xdb: {  	v48 =	vadd.f32 $1.000000000e+00, v33;
	[tilespmem:$0x310] =	vst v47;
	(erf) = vrcp.f32 v44;
	v49 =	vpop (erf)  }
0xdc: {  	v50 =	vadd.f32 $1.000000000e+00, v38;
	[tilespmem:$0x280] =	vst v49;
	(erf) = vrcp.f32 v46;
	v51 =	vpop (erf)  }
0xdd: {  	v1 =	vadd.f32 $1.000000000e+00, v57;
	[tilespmem:$0x3D0] =	vst v51;
	(erf) = vrcp.f32 v48;
	v52 =	vpop (erf)  }
0xde: {  	[tilespmem:$0x380] =	vst v52;
	v53 =	vpop (erf);
	(erf) = vrcp.f32 v50  }
0xdf: {  	[tilespmem:$0x360] =	vst v53;
	(erf) = vrcp.f32 v1;
	v54 =	vpop (erf)  }
0xe0: {  	[tilespmem:$0x3B0] =	vst v54;
	v55 =	vpop (erf)  }
0xe1: {  	[tilespmem:$0x230] =	vst v55;
	v56 =	vpop (erf)  }
0xe2: {  	[tilespmem:$0x3A0] =	vst v56;
	v57 =	vpop (erf)  }
0xe3: {  	[tilespmem:$0x390] =	vst v57;
	v58 =	vpop (erf)  }
0xe4: {  	[tilespmem:$0x330] =	vst v58;
	v59 =	vpop (erf)  }
0xe5: {  	[tilespmem:$0x210] =	vst v59;
	v60 =	vpop (erf)  }
0xe6: {  	[tilespmem:$0x2F0] =	vst v60;
	v61 =	vpop (erf)  }
0xe7: {  	[tilespmem:$0x340] =	vst v61;
	v62 =	vpop (erf)  }
0xe8: {  	[tilespmem:$0x3C0] =	vst v62;
	v63 =	vpop (erf)  }
0xe9: {  	[tilespmem:$0x2C0] =	vst v63  }
0xea: {  	[hbm4b:s5+s2] =	stream.linear.scatter [tilespmem:s4], [sflag:$0x2], $0x200, $0x38;
	[tilespmem:$0x400] =	vst v63  }
0xeb: {  	_ =	swait.ge [sflag:s3], $0x200  }
0xec: {  	[sflag:s3] =	ssyncset.done $0x0  }
0xed: {  	[sflag:s3] =	ssyncadd.s32 $0xFFFFFE00  }
0xee: {  	_ =	sfence.sel $0x180000  }
0xef: {  	[bflag:$0x0] =	sbarrier.arrive $0xFFFF  }
0xf0: {  	p0 =	sne.s32 s1, $0x0;
	_ =	strace $0x90000047  }
0xf1: {  	s0 =	sadd.s32 @!p0 $0x100000, s0;
	[bflag:$0x2] =	sbarrier.arrive $0xFFFF  }
0xf2: {  	[sflag:s0] =	ssyncadd.tile.s32 @!p0 $0x1;
	_ =	shalt  }
.Lfunc_end2:
_tile_overlayer_lowered:
.L_overlay_start_2:
0xf3: {  	(tag) =	ssettag $0x2  }
0xf4: {  	s0 =	rddreg [dreg:$0x0];
	s2 =	stileid.u32  }
0xf5: {  	s1 =	rddreg [dreg:$0x1];
	p0 =	sne.s32 s2, $0x0  }
0xf6: {  	s3 =	rddreg [dreg:$0x2];
	[bflag:$0x3] =	sbarrier.arrive $0xFFFF;
	s2 =	simm.s32 @!p0 $0x1C02  }
0xf7: {  	[timem:s3], [sflag:s2] =	dma.local @!p0 [hbm:s0], s1  }
0xf8: {  	s0 =	simm.s32 @!p0 $0x2  }
0xf9: {  	_ =	swait.ge @!p0 [sflag:s0], s1  }
0xfa: {  	s1 =	ssub.s32 @!p0 $0x0, s1;
	[sflag:s0] =	ssyncset.done @!p0 $0x0  }
0xfb: {  	[sflag:s0] =	ssyncadd.s32 @!p0 s1  }
0xfc: {  	[bflag:$0x3] =	sbarrier.arrive $0xFFFF  }
0xfd: {  	_ =	shalt  }

</sc_bundles>
